<compile_context>
chip_gen: v7x
topology: tpu7x:2x2x1
jax: 0.10.2.dev20260603
libtpu: 0.0.44.dev20260713+nightly
codegen_flags: <defaults>
</compile_context>

<pallas_src>
import functools

import jax
import jax.numpy as jnp
from jax import lax
from jax.experimental import pallas as pl
from jax.experimental.pallas import tpu as pltpu
from jax.experimental.pallas import tpu_sc as plsc

L = 200
D = 64
OUT = 2
NW = 16
TPW = 13


def _dan_kernel(win_hbm, sub_hbm, cnt_hbm, t2_hbm, w_hbm, b_hbm, out_hbm,
                win_v, sub_v, cnt_v, wnd_v, st_v, part_sh, red_v,
                w_v, b_v, out_v, sem):
    cid = lax.axis_index("c")
    sid = lax.axis_index("s")

    @pl.when(cid == 0)
    def _():
        pltpu.sync_copy(win_hbm.at[sid], win_v)
        pltpu.sync_copy(sub_hbm.at[sid], sub_v)
        pltpu.sync_copy(cnt_hbm.at[sid], cnt_v)
        winv = win_v[...]
        subv = sub_v[...]
        cntv = cnt_v[...]

        lanes = lax.iota(jnp.int32, 16)
        acc = [jnp.zeros((16,), jnp.float32) for _ in range(4)]

        cps = [
            pltpu.async_copy(
                t2_hbm.at[:, pl.ds(pl.multiple_of(winv[t] * 128, 128), 128)],
                wnd_v.at[t], sem)
            for t in range(TPW)
        ]
        for t in range(TPW):
            cps[t].wait()
            s = subv[t]
            cw = jnp.full((16,), cntv[t], jnp.float32)
            sv = jnp.full((16,), s, jnp.int32)
            for c in range(4):
                g = plsc.load_gather(
                    wnd_v.at[t], [16 * c + lanes, sv])
                acc[c] = acc[c] + cw * g

        for c in range(4):
            st_v[pl.ds(16 * c, 16)] = acc[c]
        pltpu.sync_copy(st_v, part_sh.at[sid])
        plsc.subcore_barrier()

        @pl.when(sid == 0)
        def _():
            pltpu.sync_copy(w_hbm, w_v)
            pltpu.sync_copy(b_hbm, b_v)
            pltpu.sync_copy(part_sh, red_v)
            tot = [jnp.zeros((16,), jnp.float32) for _ in range(4)]
            for wk in range(NW):
                for c in range(4):
                    tot[c] = tot[c] + red_v[wk, pl.ds(16 * c, 16)]

            inv_n = jnp.float32(1.0 / L)
            m = [a * inv_n for a in tot]
            p0 = (w_v[0, pl.ds(0, 16)] * m[0] + w_v[0, pl.ds(16, 16)] * m[1]
                  + w_v[0, pl.ds(32, 16)] * m[2]
                  + w_v[0, pl.ds(48, 16)] * m[3])
            p1 = (w_v[1, pl.ds(0, 16)] * m[0] + w_v[1, pl.ds(16, 16)] * m[1]
                  + w_v[1, pl.ds(32, 16)] * m[2]
                  + w_v[1, pl.ds(48, 16)] * m[3])

            oh0 = lanes == 0
            oh01 = lanes < OUT
            s0 = jnp.full((16,), jnp.sum(p0), jnp.float32)
            s1 = jnp.full((16,), jnp.sum(p1), jnp.float32)
            bv = b_v[...]
            lv = jnp.where(oh01, jnp.where(oh0, s0, s1) + bv,
                           jnp.float32(-100.0))
            mx = jnp.full(
                (16,),
                jnp.max(jnp.where(oh01, lv, jnp.float32(-1e30))),
                jnp.float32)
            dv = lv - mx
            ev = jnp.exp(dv)
            sv2 = jnp.full((16,), jnp.sum(ev), jnp.float32)
            tt = sv2 - 1.0
            y = tt * (1.0 - tt * (0.5 - tt * (1.0 / 3.0 - 0.25 * tt)))
            for _ in range(3):
                y = y + sv2 * jnp.exp(-y) - 1.0
            out_v[...] = jnp.where(oh01, dv - y, jnp.float32(0.0))
            pltpu.sync_copy(out_v, out_hbm)


@jax.jit
def _dan_call(win, sub, cnt, t3, w, bpad):
    scmesh = plsc.VectorSubcoreMesh(core_axis_name="c", subcore_axis_name="s")
    f = functools.partial(
        pl.kernel,
        out_type=jax.ShapeDtypeStruct((16,), jnp.float32),
        mesh=scmesh,
        compiler_params=pltpu.CompilerParams(needs_layout_passes=False),
        scratch_types=[
            pltpu.VMEM((16,), jnp.int32),
            pltpu.VMEM((16,), jnp.int32),
            pltpu.VMEM((16,), jnp.float32),
            pltpu.VMEM((TPW, 64, 128), jnp.float32),
            pltpu.VMEM((64,), jnp.float32),
            pltpu.VMEM_SHARED((NW, 64), jnp.float32),
            pltpu.VMEM((NW, 64), jnp.float32),
            pltpu.VMEM((OUT, D), jnp.float32),
            pltpu.VMEM((16,), jnp.float32),
            pltpu.VMEM((16,), jnp.float32),
            pltpu.SemaphoreType.DMA,
        ],
    )(_dan_kernel)
    return f(win, sub, cnt, t3, w, bpad)


def kernel(x, table, W, b):
    row = jnp.arange(NW)[:, None]
    col = jnp.arange(16)[None, :]
    m = row * TPW + col
    valid = (col < TPW) & (m < L)
    mc = jnp.where(valid, m, 0)
    xg = x[mc]
    win = jnp.where(valid, xg >> 7, 0).astype(jnp.int32)
    sub = jnp.where(valid, xg & 127, 0).astype(jnp.int32)
    cnt = valid.astype(jnp.float32)
    t3 = table.T
    bpad = jnp.zeros((16,), jnp.float32).at[:OUT].set(b)
    res = _dan_call(win, sub, cnt, t3, W, bpad)
    return res[:OUT]

# --- scband reference (transcript-rebuilt; emitter-appended) ---
"""Pipeline reference for scband-dan-75093208203500 (READ-ONLY COPY).

The authoritative reference and input builder live on the scoring server;
editing this copy changes nothing except your own understanding.
"""

import jax, jax.numpy as jnp
import numpy as np

V = 1000000
D = 64
OUT = 2
L = 200


def setup_inputs(seed: int = 0) -> dict:
    key = jax.random.key(seed)
    k1, k2, k3 = jax.random.split(key, 3)
    x = jax.random.randint(k1, (L,), 0, V, dtype=jnp.int32)
    table = jax.random.normal(k2, (V, D), dtype=jnp.float32) * 0.02
    # xavier_uniform for W: limit = sqrt(6/(fan_in+fan_out))
    limit = float(np.sqrt(6.0 / (D + OUT)))
    W = jax.random.uniform(k3, (OUT, D), dtype=jnp.float32, minval=-limit, maxval=limit)
    b = jnp.zeros((OUT,), dtype=jnp.float32)
    return {"x": x, "table": table, "W": W, "b": b}


def reference(x, table, W, b):
    # DAN forward: mean of word embeddings over the sequence,
    # then linear layer + log_softmax along dim 0 (1-D output).
    n = x.shape[0]
    emb = jnp.take(table, x, axis=0)          # gather -> [L, D]
    mean = jnp.sum(emb, axis=0) / n           # [D]
    logits = W @ mean + b                      # [OUT]
    return jax.nn.log_softmax(logits, axis=0)

if __name__ == "__main__":
    import jax
    _d = setup_inputs()
    print(jax.jit(kernel)(*tuple(_d.values())))

</pallas_src>

<mosaic_0001>
#map = affine_map<(d0, d1) -> (0, 0)>
#map1 = affine_map<(d0, d1) -> (0)>
module attributes {stable_mosaic.version = 14 : i64} {
  func.func @_dan_kernel(%arg0: i32, %arg1: i32, %arg2: memref<16x16xi32, #tpu.memory_space<hbm>>, %arg3: memref<16x16xi32, #tpu.memory_space<hbm>>, %arg4: memref<16x16xf32, #tpu.memory_space<hbm>>, %arg5: memref<64x1000000xf32, #tpu.memory_space<hbm>>, %arg6: memref<2x64xf32, #tpu.memory_space<hbm>>, %arg7: memref<16xf32, #tpu.memory_space<hbm>>, %arg8: memref<16xf32, #tpu.memory_space<hbm>>, %arg9: memref<16xi32, #tpu.memory_space<vmem>>, %arg10: memref<16xi32, #tpu.memory_space<vmem>>, %arg11: memref<16xf32, #tpu.memory_space<vmem>>, %arg12: memref<13x64x128xf32, #tpu.memory_space<vmem>>, %arg13: memref<64xf32, #tpu.memory_space<vmem>>, %arg14: memref<16x64xf32, #tpu.memory_space<vmem_shared>>, %arg15: memref<16x64xf32, #tpu.memory_space<vmem>>, %arg16: memref<2x64xf32, #tpu.memory_space<vmem>>, %arg17: memref<16xf32, #tpu.memory_space<vmem>>, %arg18: memref<16xf32, #tpu.memory_space<vmem>>, %arg19: memref<!tpu.dma_semaphore, #tpu.memory_space<semaphore_mem>>) attributes {dimension_semantics = [#tpu.dimension_semantics<core_parallel>, #tpu.dimension_semantics<subcore_parallel>], iteration_bounds = array<i64: 2, 16>, scalar_prefetch = 0 : i64, scratch_operands = 11 : i64, tpu.core_type = #tpu.core_type<sc_vector_subcore>, window_params = [{transform_indices = #map}, {transform_indices = #map}, {transform_indices = #map}, {transform_indices = #map}, {transform_indices = #map}, {transform_indices = #map1}, {transform_indices = #map1}]} {
    %eq3A = arith.constant 0 : i32
    %eq3A_0 = arith.cmpi eq, %arg0, %eq3A : i32
    %convert_element_type3A = arith.extui %eq3A_0 : i1 to i32
    %cond3A = arith.constant 0 : i32
    %cond3A_1 = arith.cmpi ne, %convert_element_type3A, %cond3A : i32
    scf.if %cond3A_1 {
      "tpu.region"() ({
        %run_scoped3A = tpu.sem_alloc : memref<!tpu.dma_semaphore, #tpu.memory_space<semaphore_mem>>
        %dma_start3A_1071 = arith.constant 0 : i32
        %dma_start3A_1072 = tpu.memref_slice %arg2[%arg1, %dma_start3A_1071] : memref<16x16xi32, #tpu.memory_space<hbm>> -> memref<1x16xi32, #tpu.memory_space<hbm>>
        %dma_start3A_1073 = tpu.memref_squeeze %dma_start3A_1072 : memref<1x16xi32, #tpu.memory_space<hbm>> -> memref<16xi32, #tpu.memory_space<hbm>>
        %dma_start3A_1074 = arith.constant 0 : i32
        %dma_start3A_1075 = tpu.memref_slice %arg2[%arg1, %dma_start3A_1074] : memref<16x16xi32, #tpu.memory_space<hbm>> -> memref<1x16xi32, #tpu.memory_space<hbm>>
        %dma_start3A_1076 = tpu.memref_squeeze %dma_start3A_1075 : memref<1x16xi32, #tpu.memory_space<hbm>> -> memref<16xi32, #tpu.memory_space<hbm>>
        tpu.enqueue_dma source(%dma_start3A_1076 : memref<16xi32, #tpu.memory_space<hbm>>) target(%arg9 : memref<16xi32, #tpu.memory_space<vmem>>) target_semaphore(%run_scoped3A : memref<!tpu.dma_semaphore, #tpu.memory_space<semaphore_mem>>)
        %dma_wait3A_1077 = arith.constant 0 : i32
        %dma_wait3A_1078 = tpu.memref_slice %arg2[%arg1, %dma_wait3A_1077] : memref<16x16xi32, #tpu.memory_space<hbm>> -> memref<1x16xi32, #tpu.memory_space<hbm>>
        %dma_wait3A_1079 = tpu.memref_squeeze %dma_wait3A_1078 : memref<1x16xi32, #tpu.memory_space<hbm>> -> memref<16xi32, #tpu.memory_space<hbm>>
        %dma_wait3A_1080 = arith.constant 0 : i32
        %dma_wait3A_1081 = tpu.memref_slice %arg2[%arg1, %dma_wait3A_1080] : memref<16x16xi32, #tpu.memory_space<hbm>> -> memref<1x16xi32, #tpu.memory_space<hbm>>
        %dma_wait3A_1082 = tpu.memref_squeeze %dma_wait3A_1081 : memref<1x16xi32, #tpu.memory_space<hbm>> -> memref<16xi32, #tpu.memory_space<hbm>>
        tpu.wait_dma2 semaphore(%run_scoped3A : memref<!tpu.dma_semaphore, #tpu.memory_space<semaphore_mem>>) src(%dma_wait3A_1082 : memref<16xi32, #tpu.memory_space<hbm>>) dst(%arg9 : memref<16xi32, #tpu.memory_space<vmem>>)
        tpu.yield
      }) : () -> ()
      "tpu.region"() ({
        %run_scoped3A = tpu.sem_alloc : memref<!tpu.dma_semaphore, #tpu.memory_space<semaphore_mem>>
        %dma_start3A_1071 = arith.constant 0 : i32
        %dma_start3A_1072 = tpu.memref_slice %arg3[%arg1, %dma_start3A_1071] : memref<16x16xi32, #tpu.memory_space<hbm>> -> memref<1x16xi32, #tpu.memory_space<hbm>>
        %dma_start3A_1073 = tpu.memref_squeeze %dma_start3A_1072 : memref<1x16xi32, #tpu.memory_space<hbm>> -> memref<16xi32, #tpu.memory_space<hbm>>
        %dma_start3A_1074 = arith.constant 0 : i32
        %dma_start3A_1075 = tpu.memref_slice %arg3[%arg1, %dma_start3A_1074] : memref<16x16xi32, #tpu.memory_space<hbm>> -> memref<1x16xi32, #tpu.memory_space<hbm>>
        %dma_start3A_1076 = tpu.memref_squeeze %dma_start3A_1075 : memref<1x16xi32, #tpu.memory_space<hbm>> -> memref<16xi32, #tpu.memory_space<hbm>>
        tpu.enqueue_dma source(%dma_start3A_1076 : memref<16xi32, #tpu.memory_space<hbm>>) target(%arg10 : memref<16xi32, #tpu.memory_space<vmem>>) target_semaphore(%run_scoped3A : memref<!tpu.dma_semaphore, #tpu.memory_space<semaphore_mem>>)
        %dma_wait3A_1077 = arith.constant 0 : i32
        %dma_wait3A_1078 = tpu.memref_slice %arg3[%arg1, %dma_wait3A_1077] : memref<16x16xi32, #tpu.memory_space<hbm>> -> memref<1x16xi32, #tpu.memory_space<hbm>>
        %dma_wait3A_1079 = tpu.memref_squeeze %dma_wait3A_1078 : memref<1x16xi32, #tpu.memory_space<hbm>> -> memref<16xi32, #tpu.memory_space<hbm>>
        %dma_wait3A_1080 = arith.constant 0 : i32
        %dma_wait3A_1081 = tpu.memref_slice %arg3[%arg1, %dma_wait3A_1080] : memref<16x16xi32, #tpu.memory_space<hbm>> -> memref<1x16xi32, #tpu.memory_space<hbm>>
        %dma_wait3A_1082 = tpu.memref_squeeze %dma_wait3A_1081 : memref<1x16xi32, #tpu.memory_space<hbm>> -> memref<16xi32, #tpu.memory_space<hbm>>
        tpu.wait_dma2 semaphore(%run_scoped3A : memref<!tpu.dma_semaphore, #tpu.memory_space<semaphore_mem>>) src(%dma_wait3A_1082 : memref<16xi32, #tpu.memory_space<hbm>>) dst(%arg10 : memref<16xi32, #tpu.memory_space<vmem>>)
        tpu.yield
      }) : () -> ()
      "tpu.region"() ({
        %run_scoped3A = tpu.sem_alloc : memref<!tpu.dma_semaphore, #tpu.memory_space<semaphore_mem>>
        %dma_start3A_1071 = arith.constant 0 : i32
        %dma_start3A_1072 = tpu.memref_slice %arg4[%arg1, %dma_start3A_1071] : memref<16x16xf32, #tpu.memory_space<hbm>> -> memref<1x16xf32, #tpu.memory_space<hbm>>
        %dma_start3A_1073 = tpu.memref_squeeze %dma_start3A_1072 : memref<1x16xf32, #tpu.memory_space<hbm>> -> memref<16xf32, #tpu.memory_space<hbm>>
        %dma_start3A_1074 = arith.constant 0 : i32
        %dma_start3A_1075 = tpu.memref_slice %arg4[%arg1, %dma_start3A_1074] : memref<16x16xf32, #tpu.memory_space<hbm>> -> memref<1x16xf32, #tpu.memory_space<hbm>>
        %dma_start3A_1076 = tpu.memref_squeeze %dma_start3A_1075 : memref<1x16xf32, #tpu.memory_space<hbm>> -> memref<16xf32, #tpu.memory_space<hbm>>
        tpu.enqueue_dma source(%dma_start3A_1076 : memref<16xf32, #tpu.memory_space<hbm>>) target(%arg11 : memref<16xf32, #tpu.memory_space<vmem>>) target_semaphore(%run_scoped3A : memref<!tpu.dma_semaphore, #tpu.memory_space<semaphore_mem>>)
        %dma_wait3A_1077 = arith.constant 0 : i32
        %dma_wait3A_1078 = tpu.memref_slice %arg4[%arg1, %dma_wait3A_1077] : memref<16x16xf32, #tpu.memory_space<hbm>> -> memref<1x16xf32, #tpu.memory_space<hbm>>
        %dma_wait3A_1079 = tpu.memref_squeeze %dma_wait3A_1078 : memref<1x16xf32, #tpu.memory_space<hbm>> -> memref<16xf32, #tpu.memory_space<hbm>>
        %dma_wait3A_1080 = arith.constant 0 : i32
        %dma_wait3A_1081 = tpu.memref_slice %arg4[%arg1, %dma_wait3A_1080] : memref<16x16xf32, #tpu.memory_space<hbm>> -> memref<1x16xf32, #tpu.memory_space<hbm>>
        %dma_wait3A_1082 = tpu.memref_squeeze %dma_wait3A_1081 : memref<1x16xf32, #tpu.memory_space<hbm>> -> memref<16xf32, #tpu.memory_space<hbm>>
        tpu.wait_dma2 semaphore(%run_scoped3A : memref<!tpu.dma_semaphore, #tpu.memory_space<semaphore_mem>>) src(%dma_wait3A_1082 : memref<16xf32, #tpu.memory_space<hbm>>) dst(%arg11 : memref<16xf32, #tpu.memory_space<vmem>>)
        tpu.yield
      }) : () -> ()
      %get3A = arith.constant 0 : index
      %get3A_2 = tpu.vector_load %arg9[%get3A] {strides = array<i32>} : memref<16xi32, #tpu.memory_space<vmem>>, vector<16xi32>,
      %get3A_3 = arith.constant 0 : index
      %get3A_4 = tpu.vector_load %arg10[%get3A_3] {strides = array<i32>} : memref<16xi32, #tpu.memory_space<vmem>>, vector<16xi32>,
      %get3A_5 = arith.constant 0 : index
      %get3A_6 = tpu.vector_load %arg11[%get3A_5] {strides = array<i32>} : memref<16xf32, #tpu.memory_space<vmem>>, vector<16xf32>,
      %iota3A = tpu.iota {dimensions = array<i32: 0>} : vector<16xi32>
      %broadcast_in_dim3A = arith.constant 0.000000e+00 : f32
      %broadcast_in_dim3A_7 = vector.broadcast %broadcast_in_dim3A : f32 to vector<16xf32>
      %broadcast_in_dim3A_8 = arith.constant 0.000000e+00 : f32
      %broadcast_in_dim3A_9 = vector.broadcast %broadcast_in_dim3A_8 : f32 to vector<16xf32>
      %broadcast_in_dim3A_10 = arith.constant 0.000000e+00 : f32
      %broadcast_in_dim3A_11 = vector.broadcast %broadcast_in_dim3A_10 : f32 to vector<16xf32>
      %broadcast_in_dim3A_12 = arith.constant 0.000000e+00 : f32
      %broadcast_in_dim3A_13 = vector.broadcast %broadcast_in_dim3A_12 : f32 to vector<16xf32>
      %slice3A = vector.extract_strided_slice %get3A_2 {offsets = [0], sizes = [1], strides = [1]} : vector<16xi32> to vector<1xi32>
      %squeeze3A = vector.extract %slice3A[0] : i32 from vector<1xi32>
      %mul3A = arith.constant 128 : i32
      %mul3A_14 = arith.muli %squeeze3A, %mul3A : i32
      %multiple_of3A = tpu.assume_multiple %mul3A_14, 128 : i32
      %dma_start3A = arith.constant 0 : i32
      %dma_start3A_15 = arith.constant 0 : i32
      %dma_start3A_16 = arith.constant 0 : i32
      %dma_start3A_17 = tpu.memref_slice %arg12[%dma_start3A, %dma_start3A_15, %dma_start3A_16] : memref<13x64x128xf32, #tpu.memory_space<vmem>> -> memref<1x64x128xf32, #tpu.memory_space<vmem>>
      %dma_start3A_18 = tpu.memref_squeeze %dma_start3A_17 : memref<1x64x128xf32, #tpu.memory_space<vmem>> -> memref<64x128xf32, #tpu.memory_space<vmem>>
      %dma_start3A_19 = arith.constant 0 : i32
      %dma_start3A_20 = tpu.memref_slice %arg5[%dma_start3A_19, %multiple_of3A] : memref<64x1000000xf32, #tpu.memory_space<hbm>> -> memref<64x128xf32, #tpu.memory_space<hbm>>
      %dma_start3A_21 = arith.constant 0 : i32
      %dma_start3A_22 = arith.constant 0 : i32
      %dma_start3A_23 = tpu.memref_slice %arg12[%dma_start3A, %dma_start3A_21, %dma_start3A_22] : memref<13x64x128xf32, #tpu.memory_space<vmem>> -> memref<1x64x128xf32, #tpu.memory_space<vmem>>
      %dma_start3A_24 = tpu.memref_squeeze %dma_start3A_23 : memref<1x64x128xf32, #tpu.memory_space<vmem>> -> memref<64x128xf32, #tpu.memory_space<vmem>>
      %dma_start3A_25 = arith.constant 0 : i32
      %dma_start3A_26 = tpu.memref_slice %arg5[%dma_start3A_25, %multiple_of3A] : memref<64x1000000xf32, #tpu.memory_space<hbm>> -> memref<64x128xf32, #tpu.memory_space<hbm>>
      tpu.enqueue_dma source(%dma_start3A_26 : memref<64x128xf32, #tpu.memory_space<hbm>>) target(%dma_start3A_24 : memref<64x128xf32, #tpu.memory_space<vmem>>) target_semaphore(%arg19 : memref<!tpu.dma_semaphore, #tpu.memory_space<semaphore_mem>>)
      %slice3A_27 = vector.extract_strided_slice %get3A_2 {offsets = [1], sizes = [1], strides = [1]} : vector<16xi32> to vector<1xi32>
      %squeeze3A_28 = vector.extract %slice3A_27[0] : i32 from vector<1xi32>
      %mul3A_29 = arith.constant 128 : i32
      %mul3A_30 = arith.muli %squeeze3A_28, %mul3A_29 : i32
      %multiple_of3A_31 = tpu.assume_multiple %mul3A_30, 128 : i32
      %dma_start3A_32 = arith.constant 1 : i32
      %dma_start3A_33 = arith.constant 0 : i32
      %dma_start3A_34 = arith.constant 0 : i32
      %dma_start3A_35 = tpu.memref_slice %arg12[%dma_start3A_32, %dma_start3A_33, %dma_start3A_34] : memref<13x64x128xf32, #tpu.memory_space<vmem>> -> memref<1x64x128xf32, #tpu.memory_space<vmem>>
      %dma_start3A_36 = tpu.memref_squeeze %dma_start3A_35 : memref<1x64x128xf32, #tpu.memory_space<vmem>> -> memref<64x128xf32, #tpu.memory_space<vmem>>
      %dma_start3A_37 = arith.constant 0 : i32
      %dma_start3A_38 = tpu.memref_slice %arg5[%dma_start3A_37, %multiple_of3A_31] : memref<64x1000000xf32, #tpu.memory_space<hbm>> -> memref<64x128xf32, #tpu.memory_space<hbm>>
      %dma_start3A_39 = arith.constant 0 : i32
      %dma_start3A_40 = arith.constant 0 : i32
      %dma_start3A_41 = tpu.memref_slice %arg12[%dma_start3A_32, %dma_start3A_39, %dma_start3A_40] : memref<13x64x128xf32, #tpu.memory_space<vmem>> -> memref<1x64x128xf32, #tpu.memory_space<vmem>>
      %dma_start3A_42 = tpu.memref_squeeze %dma_start3A_41 : memref<1x64x128xf32, #tpu.memory_space<vmem>> -> memref<64x128xf32, #tpu.memory_space<vmem>>
      %dma_start3A_43 = arith.constant 0 : i32
      %dma_start3A_44 = tpu.memref_slice %arg5[%dma_start3A_43, %multiple_of3A_31] : memref<64x1000000xf32, #tpu.memory_space<hbm>> -> memref<64x128xf32, #tpu.memory_space<hbm>>
      tpu.enqueue_dma source(%dma_start3A_44 : memref<64x128xf32, #tpu.memory_space<hbm>>) target(%dma_start3A_42 : memref<64x128xf32, #tpu.memory_space<vmem>>) target_semaphore(%arg19 : memref<!tpu.dma_semaphore, #tpu.memory_space<semaphore_mem>>)
      %slice3A_45 = vector.extract_strided_slice %get3A_2 {offsets = [2], sizes = [1], strides = [1]} : vector<16xi32> to vector<1xi32>
      %squeeze3A_46 = vector.extract %slice3A_45[0] : i32 from vector<1xi32>
      %mul3A_47 = arith.constant 128 : i32
      %mul3A_48 = arith.muli %squeeze3A_46, %mul3A_47 : i32
      %multiple_of3A_49 = tpu.assume_multiple %mul3A_48, 128 : i32
      %dma_start3A_50 = arith.constant 2 : i32
      %dma_start3A_51 = arith.constant 0 : i32
      %dma_start3A_52 = arith.constant 0 : i32
      %dma_start3A_53 = tpu.memref_slice %arg12[%dma_start3A_50, %dma_start3A_51, %dma_start3A_52] : memref<13x64x128xf32, #tpu.memory_space<vmem>> -> memref<1x64x128xf32, #tpu.memory_space<vmem>>
      %dma_start3A_54 = tpu.memref_squeeze %dma_start3A_53 : memref<1x64x128xf32, #tpu.memory_space<vmem>> -> memref<64x128xf32, #tpu.memory_space<vmem>>
      %dma_start3A_55 = arith.constant 0 : i32
      %dma_start3A_56 = tpu.memref_slice %arg5[%dma_start3A_55, %multiple_of3A_49] : memref<64x1000000xf32, #tpu.memory_space<hbm>> -> memref<64x128xf32, #tpu.memory_space<hbm>>
      %dma_start3A_57 = arith.constant 0 : i32
      %dma_start3A_58 = arith.constant 0 : i32
      %dma_start3A_59 = tpu.memref_slice %arg12[%dma_start3A_50, %dma_start3A_57, %dma_start3A_58] : memref<13x64x128xf32, #tpu.memory_space<vmem>> -> memref<1x64x128xf32, #tpu.memory_space<vmem>>
      %dma_start3A_60 = tpu.memref_squeeze %dma_start3A_59 : memref<1x64x128xf32, #tpu.memory_space<vmem>> -> memref<64x128xf32, #tpu.memory_space<vmem>>
      %dma_start3A_61 = arith.constant 0 : i32
      %dma_start3A_62 = tpu.memref_slice %arg5[%dma_start3A_61, %multiple_of3A_49] : memref<64x1000000xf32, #tpu.memory_space<hbm>> -> memref<64x128xf32, #tpu.memory_space<hbm>>
      tpu.enqueue_dma source(%dma_start3A_62 : memref<64x128xf32, #tpu.memory_space<hbm>>) target(%dma_start3A_60 : memref<64x128xf32, #tpu.memory_space<vmem>>) target_semaphore(%arg19 : memref<!tpu.dma_semaphore, #tpu.memory_space<semaphore_mem>>)
      %slice3A_63 = vector.extract_strided_slice %get3A_2 {offsets = [3], sizes = [1], strides = [1]} : vector<16xi32> to vector<1xi32>
      %squeeze3A_64 = vector.extract %slice3A_63[0] : i32 from vector<1xi32>
      %mul3A_65 = arith.constant 128 : i32
      %mul3A_66 = arith.muli %squeeze3A_64, %mul3A_65 : i32
      %multiple_of3A_67 = tpu.assume_multiple %mul3A_66, 128 : i32
      %dma_start3A_68 = arith.constant 3 : i32
      %dma_start3A_69 = arith.constant 0 : i32
      %dma_start3A_70 = arith.constant 0 : i32
      %dma_start3A_71 = tpu.memref_slice %arg12[%dma_start3A_68, %dma_start3A_69, %dma_start3A_70] : memref<13x64x128xf32, #tpu.memory_space<vmem>> -> memref<1x64x128xf32, #tpu.memory_space<vmem>>
      %dma_start3A_72 = tpu.memref_squeeze %dma_start3A_71 : memref<1x64x128xf32, #tpu.memory_space<vmem>> -> memref<64x128xf32, #tpu.memory_space<vmem>>
      %dma_start3A_73 = arith.constant 0 : i32
      %dma_start3A_74 = tpu.memref_slice %arg5[%dma_start3A_73, %multiple_of3A_67] : memref<64x1000000xf32, #tpu.memory_space<hbm>> -> memref<64x128xf32, #tpu.memory_space<hbm>>
      %dma_start3A_75 = arith.constant 0 : i32
      %dma_start3A_76 = arith.constant 0 : i32
      %dma_start3A_77 = tpu.memref_slice %arg12[%dma_start3A_68, %dma_start3A_75, %dma_start3A_76] : memref<13x64x128xf32, #tpu.memory_space<vmem>> -> memref<1x64x128xf32, #tpu.memory_space<vmem>>
      %dma_start3A_78 = tpu.memref_squeeze %dma_start3A_77 : memref<1x64x128xf32, #tpu.memory_space<vmem>> -> memref<64x128xf32, #tpu.memory_space<vmem>>
      %dma_start3A_79 = arith.constant 0 : i32
      %dma_start3A_80 = tpu.memref_slice %arg5[%dma_start3A_79, %multiple_of3A_67] : memref<64x1000000xf32, #tpu.memory_space<hbm>> -> memref<64x128xf32, #tpu.memory_space<hbm>>
      tpu.enqueue_dma source(%dma_start3A_80 : memref<64x128xf32, #tpu.memory_space<hbm>>) target(%dma_start3A_78 : memref<64x128xf32, #tpu.memory_space<vmem>>) target_semaphore(%arg19 : memref<!tpu.dma_semaphore, #tpu.memory_space<semaphore_mem>>)
      %slice3A_81 = vector.extract_strided_slice %get3A_2 {offsets = [4], sizes = [1], strides = [1]} : vector<16xi32> to vector<1xi32>
      %squeeze3A_82 = vector.extract %slice3A_81[0] : i32 from vector<1xi32>
      %mul3A_83 = arith.constant 128 : i32
      %mul3A_84 = arith.muli %squeeze3A_82, %mul3A_83 : i32
      %multiple_of3A_85 = tpu.assume_multiple %mul3A_84, 128 : i32
      %dma_start3A_86 = arith.constant 4 : i32
      %dma_start3A_87 = arith.constant 0 : i32
      %dma_start3A_88 = arith.constant 0 : i32
      %dma_start3A_89 = tpu.memref_slice %arg12[%dma_start3A_86, %dma_start3A_87, %dma_start3A_88] : memref<13x64x128xf32, #tpu.memory_space<vmem>> -> memref<1x64x128xf32, #tpu.memory_space<vmem>>
      %dma_start3A_90 = tpu.memref_squeeze %dma_start3A_89 : memref<1x64x128xf32, #tpu.memory_space<vmem>> -> memref<64x128xf32, #tpu.memory_space<vmem>>
      %dma_start3A_91 = arith.constant 0 : i32
      %dma_start3A_92 = tpu.memref_slice %arg5[%dma_start3A_91, %multiple_of3A_85] : memref<64x1000000xf32, #tpu.memory_space<hbm>> -> memref<64x128xf32, #tpu.memory_space<hbm>>
      %dma_start3A_93 = arith.constant 0 : i32
      %dma_start3A_94 = arith.constant 0 : i32
      %dma_start3A_95 = tpu.memref_slice %arg12[%dma_start3A_86, %dma_start3A_93, %dma_start3A_94] : memref<13x64x128xf32, #tpu.memory_space<vmem>> -> memref<1x64x128xf32, #tpu.memory_space<vmem>>
      %dma_start3A_96 = tpu.memref_squeeze %dma_start3A_95 : memref<1x64x128xf32, #tpu.memory_space<vmem>> -> memref<64x128xf32, #tpu.memory_space<vmem>>
      %dma_start3A_97 = arith.constant 0 : i32
      %dma_start3A_98 = tpu.memref_slice %arg5[%dma_start3A_97, %multiple_of3A_85] : memref<64x1000000xf32, #tpu.memory_space<hbm>> -> memref<64x128xf32, #tpu.memory_space<hbm>>
      tpu.enqueue_dma source(%dma_start3A_98 : memref<64x128xf32, #tpu.memory_space<hbm>>) target(%dma_start3A_96 : memref<64x128xf32, #tpu.memory_space<vmem>>) target_semaphore(%arg19 : memref<!tpu.dma_semaphore, #tpu.memory_space<semaphore_mem>>)
      %slice3A_99 = vector.extract_strided_slice %get3A_2 {offsets = [5], sizes = [1], strides = [1]} : vector<16xi32> to vector<1xi32>
      %squeeze3A_100 = vector.extract %slice3A_99[0] : i32 from vector<1xi32>
      %mul3A_101 = arith.constant 128 : i32
      %mul3A_102 = arith.muli %squeeze3A_100, %mul3A_101 : i32
      %multiple_of3A_103 = tpu.assume_multiple %mul3A_102, 128 : i32
      %dma_start3A_104 = arith.constant 5 : i32
      %dma_start3A_105 = arith.constant 0 : i32
      %dma_start3A_106 = arith.constant 0 : i32
      %dma_start3A_107 = tpu.memref_slice %arg12[%dma_start3A_104, %dma_start3A_105, %dma_start3A_106] : memref<13x64x128xf32, #tpu.memory_space<vmem>> -> memref<1x64x128xf32, #tpu.memory_space<vmem>>
      %dma_start3A_108 = tpu.memref_squeeze %dma_start3A_107 : memref<1x64x128xf32, #tpu.memory_space<vmem>> -> memref<64x128xf32, #tpu.memory_space<vmem>>
      %dma_start3A_109 = arith.constant 0 : i32
      %dma_start3A_110 = tpu.memref_slice %arg5[%dma_start3A_109, %multiple_of3A_103] : memref<64x1000000xf32, #tpu.memory_space<hbm>> -> memref<64x128xf32, #tpu.memory_space<hbm>>
      %dma_start3A_111 = arith.constant 0 : i32
      %dma_start3A_112 = arith.constant 0 : i32
      %dma_start3A_113 = tpu.memref_slice %arg12[%dma_start3A_104, %dma_start3A_111, %dma_start3A_112] : memref<13x64x128xf32, #tpu.memory_space<vmem>> -> memref<1x64x128xf32, #tpu.memory_space<vmem>>
      %dma_start3A_114 = tpu.memref_squeeze %dma_start3A_113 : memref<1x64x128xf32, #tpu.memory_space<vmem>> -> memref<64x128xf32, #tpu.memory_space<vmem>>
      %dma_start3A_115 = arith.constant 0 : i32
      %dma_start3A_116 = tpu.memref_slice %arg5[%dma_start3A_115, %multiple_of3A_103] : memref<64x1000000xf32, #tpu.memory_space<hbm>> -> memref<64x128xf32, #tpu.memory_space<hbm>>
      tpu.enqueue_dma source(%dma_start3A_116 : memref<64x128xf32, #tpu.memory_space<hbm>>) target(%dma_start3A_114 : memref<64x128xf32, #tpu.memory_space<vmem>>) target_semaphore(%arg19 : memref<!tpu.dma_semaphore, #tpu.memory_space<semaphore_mem>>)
      %slice3A_117 = vector.extract_strided_slice %get3A_2 {offsets = [6], sizes = [1], strides = [1]} : vector<16xi32> to vector<1xi32>
      %squeeze3A_118 = vector.extract %slice3A_117[0] : i32 from vector<1xi32>
      %mul3A_119 = arith.constant 128 : i32
      %mul3A_120 = arith.muli %squeeze3A_118, %mul3A_119 : i32
      %multiple_of3A_121 = tpu.assume_multiple %mul3A_120, 128 : i32
      %dma_start3A_122 = arith.constant 6 : i32
      %dma_start3A_123 = arith.constant 0 : i32
      %dma_start3A_124 = arith.constant 0 : i32
      %dma_start3A_125 = tpu.memref_slice %arg12[%dma_start3A_122, %dma_start3A_123, %dma_start3A_124] : memref<13x64x128xf32, #tpu.memory_space<vmem>> -> memref<1x64x128xf32, #tpu.memory_space<vmem>>
      %dma_start3A_126 = tpu.memref_squeeze %dma_start3A_125 : memref<1x64x128xf32, #tpu.memory_space<vmem>> -> memref<64x128xf32, #tpu.memory_space<vmem>>
      %dma_start3A_127 = arith.constant 0 : i32
      %dma_start3A_128 = tpu.memref_slice %arg5[%dma_start3A_127, %multiple_of3A_121] : memref<64x1000000xf32, #tpu.memory_space<hbm>> -> memref<64x128xf32, #tpu.memory_space<hbm>>
      %dma_start3A_129 = arith.constant 0 : i32
      %dma_start3A_130 = arith.constant 0 : i32
      %dma_start3A_131 = tpu.memref_slice %arg12[%dma_start3A_122, %dma_start3A_129, %dma_start3A_130] : memref<13x64x128xf32, #tpu.memory_space<vmem>> -> memref<1x64x128xf32, #tpu.memory_space<vmem>>
      %dma_start3A_132 = tpu.memref_squeeze %dma_start3A_131 : memref<1x64x128xf32, #tpu.memory_space<vmem>> -> memref<64x128xf32, #tpu.memory_space<vmem>>
      %dma_start3A_133 = arith.constant 0 : i32
      %dma_start3A_134 = tpu.memref_slice %arg5[%dma_start3A_133, %multiple_of3A_121] : memref<64x1000000xf32, #tpu.memory_space<hbm>> -> memref<64x128xf32, #tpu.memory_space<hbm>>
      tpu.enqueue_dma source(%dma_start3A_134 : memref<64x128xf32, #tpu.memory_space<hbm>>) target(%dma_start3A_132 : memref<64x128xf32, #tpu.memory_space<vmem>>) target_semaphore(%arg19 : memref<!tpu.dma_semaphore, #tpu.memory_space<semaphore_mem>>)
      %slice3A_135 = vector.extract_strided_slice %get3A_2 {offsets = [7], sizes = [1], strides = [1]} : vector<16xi32> to vector<1xi32>
      %squeeze3A_136 = vector.extract %slice3A_135[0] : i32 from vector<1xi32>
      %mul3A_137 = arith.constant 128 : i32
      %mul3A_138 = arith.muli %squeeze3A_136, %mul3A_137 : i32
      %multiple_of3A_139 = tpu.assume_multiple %mul3A_138, 128 : i32
      %dma_start3A_140 = arith.constant 7 : i32
      %dma_start3A_141 = arith.constant 0 : i32
      %dma_start3A_142 = arith.constant 0 : i32
      %dma_start3A_143 = tpu.memref_slice %arg12[%dma_start3A_140, %dma_start3A_141, %dma_start3A_142] : memref<13x64x128xf32, #tpu.memory_space<vmem>> -> memref<1x64x128xf32, #tpu.memory_space<vmem>>
      %dma_start3A_144 = tpu.memref_squeeze %dma_start3A_143 : memref<1x64x128xf32, #tpu.memory_space<vmem>> -> memref<64x128xf32, #tpu.memory_space<vmem>>
      %dma_start3A_145 = arith.constant 0 : i32
      %dma_start3A_146 = tpu.memref_slice %arg5[%dma_start3A_145, %multiple_of3A_139] : memref<64x1000000xf32, #tpu.memory_space<hbm>> -> memref<64x128xf32, #tpu.memory_space<hbm>>
      %dma_start3A_147 = arith.constant 0 : i32
      %dma_start3A_148 = arith.constant 0 : i32
      %dma_start3A_149 = tpu.memref_slice %arg12[%dma_start3A_140, %dma_start3A_147, %dma_start3A_148] : memref<13x64x128xf32, #tpu.memory_space<vmem>> -> memref<1x64x128xf32, #tpu.memory_space<vmem>>
      %dma_start3A_150 = tpu.memref_squeeze %dma_start3A_149 : memref<1x64x128xf32, #tpu.memory_space<vmem>> -> memref<64x128xf32, #tpu.memory_space<vmem>>
      %dma_start3A_151 = arith.constant 0 : i32
      %dma_start3A_152 = tpu.memref_slice %arg5[%dma_start3A_151, %multiple_of3A_139] : memref<64x1000000xf32, #tpu.memory_space<hbm>> -> memref<64x128xf32, #tpu.memory_space<hbm>>
      tpu.enqueue_dma source(%dma_start3A_152 : memref<64x128xf32, #tpu.memory_space<hbm>>) target(%dma_start3A_150 : memref<64x128xf32, #tpu.memory_space<vmem>>) target_semaphore(%arg19 : memref<!tpu.dma_semaphore, #tpu.memory_space<semaphore_mem>>)
      %slice3A_153 = vector.extract_strided_slice %get3A_2 {offsets = [8], sizes = [1], strides = [1]} : vector<16xi32> to vector<1xi32>
      %squeeze3A_154 = vector.extract %slice3A_153[0] : i32 from vector<1xi32>
      %mul3A_155 = arith.constant 128 : i32
      %mul3A_156 = arith.muli %squeeze3A_154, %mul3A_155 : i32
      %multiple_of3A_157 = tpu.assume_multiple %mul3A_156, 128 : i32
      %dma_start3A_158 = arith.constant 8 : i32
      %dma_start3A_159 = arith.constant 0 : i32
      %dma_start3A_160 = arith.constant 0 : i32
      %dma_start3A_161 = tpu.memref_slice %arg12[%dma_start3A_158, %dma_start3A_159, %dma_start3A_160] : memref<13x64x128xf32, #tpu.memory_space<vmem>> -> memref<1x64x128xf32, #tpu.memory_space<vmem>>
      %dma_start3A_162 = tpu.memref_squeeze %dma_start3A_161 : memref<1x64x128xf32, #tpu.memory_space<vmem>> -> memref<64x128xf32, #tpu.memory_space<vmem>>
      %dma_start3A_163 = arith.constant 0 : i32
      %dma_start3A_164 = tpu.memref_slice %arg5[%dma_start3A_163, %multiple_of3A_157] : memref<64x1000000xf32, #tpu.memory_space<hbm>> -> memref<64x128xf32, #tpu.memory_space<hbm>>
      %dma_start3A_165 = arith.constant 0 : i32
      %dma_start3A_166 = arith.constant 0 : i32
      %dma_start3A_167 = tpu.memref_slice %arg12[%dma_start3A_158, %dma_start3A_165, %dma_start3A_166] : memref<13x64x128xf32, #tpu.memory_space<vmem>> -> memref<1x64x128xf32, #tpu.memory_space<vmem>>
      %dma_start3A_168 = tpu.memref_squeeze %dma_start3A_167 : memref<1x64x128xf32, #tpu.memory_space<vmem>> -> memref<64x128xf32, #tpu.memory_space<vmem>>
      %dma_start3A_169 = arith.constant 0 : i32
      %dma_start3A_170 = tpu.memref_slice %arg5[%dma_start3A_169, %multiple_of3A_157] : memref<64x1000000xf32, #tpu.memory_space<hbm>> -> memref<64x128xf32, #tpu.memory_space<hbm>>
      tpu.enqueue_dma source(%dma_start3A_170 : memref<64x128xf32, #tpu.memory_space<hbm>>) target(%dma_start3A_168 : memref<64x128xf32, #tpu.memory_space<vmem>>) target_semaphore(%arg19 : memref<!tpu.dma_semaphore, #tpu.memory_space<semaphore_mem>>)
      %slice3A_171 = vector.extract_strided_slice %get3A_2 {offsets = [9], sizes = [1], strides = [1]} : vector<16xi32> to vector<1xi32>
      %squeeze3A_172 = vector.extract %slice3A_171[0] : i32 from vector<1xi32>
      %mul3A_173 = arith.constant 128 : i32
      %mul3A_174 = arith.muli %squeeze3A_172, %mul3A_173 : i32
      %multiple_of3A_175 = tpu.assume_multiple %mul3A_174, 128 : i32
      %dma_start3A_176 = arith.constant 9 : i32
      %dma_start3A_177 = arith.constant 0 : i32
      %dma_start3A_178 = arith.constant 0 : i32
      %dma_start3A_179 = tpu.memref_slice %arg12[%dma_start3A_176, %dma_start3A_177, %dma_start3A_178] : memref<13x64x128xf32, #tpu.memory_space<vmem>> -> memref<1x64x128xf32, #tpu.memory_space<vmem>>
      %dma_start3A_180 = tpu.memref_squeeze %dma_start3A_179 : memref<1x64x128xf32, #tpu.memory_space<vmem>> -> memref<64x128xf32, #tpu.memory_space<vmem>>
      %dma_start3A_181 = arith.constant 0 : i32
      %dma_start3A_182 = tpu.memref_slice %arg5[%dma_start3A_181, %multiple_of3A_175] : memref<64x1000000xf32, #tpu.memory_space<hbm>> -> memref<64x128xf32, #tpu.memory_space<hbm>>
      %dma_start3A_183 = arith.constant 0 : i32
      %dma_start3A_184 = arith.constant 0 : i32
      %dma_start3A_185 = tpu.memref_slice %arg12[%dma_start3A_176, %dma_start3A_183, %dma_start3A_184] : memref<13x64x128xf32, #tpu.memory_space<vmem>> -> memref<1x64x128xf32, #tpu.memory_space<vmem>>
      %dma_start3A_186 = tpu.memref_squeeze %dma_start3A_185 : memref<1x64x128xf32, #tpu.memory_space<vmem>> -> memref<64x128xf32, #tpu.memory_space<vmem>>
      %dma_start3A_187 = arith.constant 0 : i32
      %dma_start3A_188 = tpu.memref_slice %arg5[%dma_start3A_187, %multiple_of3A_175] : memref<64x1000000xf32, #tpu.memory_space<hbm>> -> memref<64x128xf32, #tpu.memory_space<hbm>>
      tpu.enqueue_dma source(%dma_start3A_188 : memref<64x128xf32, #tpu.memory_space<hbm>>) target(%dma_start3A_186 : memref<64x128xf32, #tpu.memory_space<vmem>>) target_semaphore(%arg19 : memref<!tpu.dma_semaphore, #tpu.memory_space<semaphore_mem>>)
      %slice3A_189 = vector.extract_strided_slice %get3A_2 {offsets = [10], sizes = [1], strides = [1]} : vector<16xi32> to vector<1xi32>
      %squeeze3A_190 = vector.extract %slice3A_189[0] : i32 from vector<1xi32>
      %mul3A_191 = arith.constant 128 : i32
      %mul3A_192 = arith.muli %squeeze3A_190, %mul3A_191 : i32
      %multiple_of3A_193 = tpu.assume_multiple %mul3A_192, 128 : i32
      %dma_start3A_194 = arith.constant 10 : i32
      %dma_start3A_195 = arith.constant 0 : i32
      %dma_start3A_196 = arith.constant 0 : i32
      %dma_start3A_197 = tpu.memref_slice %arg12[%dma_start3A_194, %dma_start3A_195, %dma_start3A_196] : memref<13x64x128xf32, #tpu.memory_space<vmem>> -> memref<1x64x128xf32, #tpu.memory_space<vmem>>
      %dma_start3A_198 = tpu.memref_squeeze %dma_start3A_197 : memref<1x64x128xf32, #tpu.memory_space<vmem>> -> memref<64x128xf32, #tpu.memory_space<vmem>>
      %dma_start3A_199 = arith.constant 0 : i32
      %dma_start3A_200 = tpu.memref_slice %arg5[%dma_start3A_199, %multiple_of3A_193] : memref<64x1000000xf32, #tpu.memory_space<hbm>> -> memref<64x128xf32, #tpu.memory_space<hbm>>
      %dma_start3A_201 = arith.constant 0 : i32
      %dma_start3A_202 = arith.constant 0 : i32
      %dma_start3A_203 = tpu.memref_slice %arg12[%dma_start3A_194, %dma_start3A_201, %dma_start3A_202] : memref<13x64x128xf32, #tpu.memory_space<vmem>> -> memref<1x64x128xf32, #tpu.memory_space<vmem>>
      %dma_start3A_204 = tpu.memref_squeeze %dma_start3A_203 : memref<1x64x128xf32, #tpu.memory_space<vmem>> -> memref<64x128xf32, #tpu.memory_space<vmem>>
      %dma_start3A_205 = arith.constant 0 : i32
      %dma_start3A_206 = tpu.memref_slice %arg5[%dma_start3A_205, %multiple_of3A_193] : memref<64x1000000xf32, #tpu.memory_space<hbm>> -> memref<64x128xf32, #tpu.memory_space<hbm>>
      tpu.enqueue_dma source(%dma_start3A_206 : memref<64x128xf32, #tpu.memory_space<hbm>>) target(%dma_start3A_204 : memref<64x128xf32, #tpu.memory_space<vmem>>) target_semaphore(%arg19 : memref<!tpu.dma_semaphore, #tpu.memory_space<semaphore_mem>>)
      %slice3A_207 = vector.extract_strided_slice %get3A_2 {offsets = [11], sizes = [1], strides = [1]} : vector<16xi32> to vector<1xi32>
      %squeeze3A_208 = vector.extract %slice3A_207[0] : i32 from vector<1xi32>
      %mul3A_209 = arith.constant 128 : i32
      %mul3A_210 = arith.muli %squeeze3A_208, %mul3A_209 : i32
      %multiple_of3A_211 = tpu.assume_multiple %mul3A_210, 128 : i32
      %dma_start3A_212 = arith.constant 11 : i32
      %dma_start3A_213 = arith.constant 0 : i32
      %dma_start3A_214 = arith.constant 0 : i32
      %dma_start3A_215 = tpu.memref_slice %arg12[%dma_start3A_212, %dma_start3A_213, %dma_start3A_214] : memref<13x64x128xf32, #tpu.memory_space<vmem>> -> memref<1x64x128xf32, #tpu.memory_space<vmem>>
      %dma_start3A_216 = tpu.memref_squeeze %dma_start3A_215 : memref<1x64x128xf32, #tpu.memory_space<vmem>> -> memref<64x128xf32, #tpu.memory_space<vmem>>
      %dma_start3A_217 = arith.constant 0 : i32
      %dma_start3A_218 = tpu.memref_slice %arg5[%dma_start3A_217, %multiple_of3A_211] : memref<64x1000000xf32, #tpu.memory_space<hbm>> -> memref<64x128xf32, #tpu.memory_space<hbm>>
      %dma_start3A_219 = arith.constant 0 : i32
      %dma_start3A_220 = arith.constant 0 : i32
      %dma_start3A_221 = tpu.memref_slice %arg12[%dma_start3A_212, %dma_start3A_219, %dma_start3A_220] : memref<13x64x128xf32, #tpu.memory_space<vmem>> -> memref<1x64x128xf32, #tpu.memory_space<vmem>>
      %dma_start3A_222 = tpu.memref_squeeze %dma_start3A_221 : memref<1x64x128xf32, #tpu.memory_space<vmem>> -> memref<64x128xf32, #tpu.memory_space<vmem>>
      %dma_start3A_223 = arith.constant 0 : i32
      %dma_start3A_224 = tpu.memref_slice %arg5[%dma_start3A_223, %multiple_of3A_211] : memref<64x1000000xf32, #tpu.memory_space<hbm>> -> memref<64x128xf32, #tpu.memory_space<hbm>>
      tpu.enqueue_dma source(%dma_start3A_224 : memref<64x128xf32, #tpu.memory_space<hbm>>) target(%dma_start3A_222 : memref<64x128xf32, #tpu.memory_space<vmem>>) target_semaphore(%arg19 : memref<!tpu.dma_semaphore, #tpu.memory_space<semaphore_mem>>)
      %slice3A_225 = vector.extract_strided_slice %get3A_2 {offsets = [12], sizes = [1], strides = [1]} : vector<16xi32> to vector<1xi32>
      %squeeze3A_226 = vector.extract %slice3A_225[0] : i32 from vector<1xi32>
      %mul3A_227 = arith.constant 128 : i32
      %mul3A_228 = arith.muli %squeeze3A_226, %mul3A_227 : i32
      %multiple_of3A_229 = tpu.assume_multiple %mul3A_228, 128 : i32
      %dma_start3A_230 = arith.constant 12 : i32
      %dma_start3A_231 = arith.constant 0 : i32
      %dma_start3A_232 = arith.constant 0 : i32
      %dma_start3A_233 = tpu.memref_slice %arg12[%dma_start3A_230, %dma_start3A_231, %dma_start3A_232] : memref<13x64x128xf32, #tpu.memory_space<vmem>> -> memref<1x64x128xf32, #tpu.memory_space<vmem>>
      %dma_start3A_234 = tpu.memref_squeeze %dma_start3A_233 : memref<1x64x128xf32, #tpu.memory_space<vmem>> -> memref<64x128xf32, #tpu.memory_space<vmem>>
      %dma_start3A_235 = arith.constant 0 : i32
      %dma_start3A_236 = tpu.memref_slice %arg5[%dma_start3A_235, %multiple_of3A_229] : memref<64x1000000xf32, #tpu.memory_space<hbm>> -> memref<64x128xf32, #tpu.memory_space<hbm>>
      %dma_start3A_237 = arith.constant 0 : i32
      %dma_start3A_238 = arith.constant 0 : i32
      %dma_start3A_239 = tpu.memref_slice %arg12[%dma_start3A_230, %dma_start3A_237, %dma_start3A_238] : memref<13x64x128xf32, #tpu.memory_space<vmem>> -> memref<1x64x128xf32, #tpu.memory_space<vmem>>
      %dma_start3A_240 = tpu.memref_squeeze %dma_start3A_239 : memref<1x64x128xf32, #tpu.memory_space<vmem>> -> memref<64x128xf32, #tpu.memory_space<vmem>>
      %dma_start3A_241 = arith.constant 0 : i32
      %dma_start3A_242 = tpu.memref_slice %arg5[%dma_start3A_241, %multiple_of3A_229] : memref<64x1000000xf32, #tpu.memory_space<hbm>> -> memref<64x128xf32, #tpu.memory_space<hbm>>
      tpu.enqueue_dma source(%dma_start3A_242 : memref<64x128xf32, #tpu.memory_space<hbm>>) target(%dma_start3A_240 : memref<64x128xf32, #tpu.memory_space<vmem>>) target_semaphore(%arg19 : memref<!tpu.dma_semaphore, #tpu.memory_space<semaphore_mem>>)
      %dma_wait3A = arith.constant 0 : i32
      %dma_wait3A_243 = arith.constant 0 : i32
      %dma_wait3A_244 = arith.constant 0 : i32
      %dma_wait3A_245 = tpu.memref_slice %arg12[%dma_wait3A, %dma_wait3A_243, %dma_wait3A_244] : memref<13x64x128xf32, #tpu.memory_space<vmem>> -> memref<1x64x128xf32, #tpu.memory_space<vmem>>
      %dma_wait3A_246 = tpu.memref_squeeze %dma_wait3A_245 : memref<1x64x128xf32, #tpu.memory_space<vmem>> -> memref<64x128xf32, #tpu.memory_space<vmem>>
      %dma_wait3A_247 = arith.constant 0 : i32
      %dma_wait3A_248 = tpu.memref_slice %arg5[%dma_wait3A_247, %multiple_of3A] : memref<64x1000000xf32, #tpu.memory_space<hbm>> -> memref<64x128xf32, #tpu.memory_space<hbm>>
      %dma_wait3A_249 = arith.constant 0 : i32
      %dma_wait3A_250 = arith.constant 0 : i32
      %dma_wait3A_251 = tpu.memref_slice %arg12[%dma_wait3A, %dma_wait3A_249, %dma_wait3A_250] : memref<13x64x128xf32, #tpu.memory_space<vmem>> -> memref<1x64x128xf32, #tpu.memory_space<vmem>>
      %dma_wait3A_252 = tpu.memref_squeeze %dma_wait3A_251 : memref<1x64x128xf32, #tpu.memory_space<vmem>> -> memref<64x128xf32, #tpu.memory_space<vmem>>
      %dma_wait3A_253 = arith.constant 0 : i32
      %dma_wait3A_254 = tpu.memref_slice %arg5[%dma_wait3A_253, %multiple_of3A] : memref<64x1000000xf32, #tpu.memory_space<hbm>> -> memref<64x128xf32, #tpu.memory_space<hbm>>
      tpu.wait_dma2 semaphore(%arg19 : memref<!tpu.dma_semaphore, #tpu.memory_space<semaphore_mem>>) src(%dma_wait3A_254 : memref<64x128xf32, #tpu.memory_space<hbm>>) dst(%dma_wait3A_252 : memref<64x128xf32, #tpu.memory_space<vmem>>)
      %slice3A_255 = vector.extract_strided_slice %get3A_4 {offsets = [0], sizes = [1], strides = [1]} : vector<16xi32> to vector<1xi32>
      %squeeze3A_256 = vector.extract %slice3A_255[0] : i32 from vector<1xi32>
      %slice3A_257 = vector.extract_strided_slice %get3A_6 {offsets = [0], sizes = [1], strides = [1]} : vector<16xf32> to vector<1xf32>
      %squeeze3A_258 = vector.extract %slice3A_257[0] : f32 from vector<1xf32>
      %broadcast_in_dim3A_259 = vector.broadcast %squeeze3A_258 : f32 to vector<16xf32>
      %broadcast_in_dim3A_260 = vector.broadcast %squeeze3A_256 : i32 to vector<16xi32>
      %add3A = arith.constant 0 : i32
      %add3A_261 = vector.broadcast %add3A : i32 to vector<16xi32>
      %add3A_262 = arith.addi %add3A_261, %iota3A : vector<16xi32>
      %gather3A = arith.constant 0 : i32
      %gather3A_263 = arith.constant 0 : i32
      %gather3A_264 = arith.constant 0 : i32
      %gather3A_265 = tpu.memref_slice %arg12[%gather3A, %gather3A_263, %gather3A_264] : memref<13x64x128xf32, #tpu.memory_space<vmem>> -> memref<1x64x128xf32, #tpu.memory_space<vmem>>
      %gather3A_266 = tpu.memref_squeeze %gather3A_265 : memref<1x64x128xf32, #tpu.memory_space<vmem>> -> memref<64x128xf32, #tpu.memory_space<vmem>>
      %gather3A_267 = tpu.vector_load_idx %gather3A_266[%add3A_262, %broadcast_in_dim3A_260] : memref<64x128xf32, #tpu.memory_space<vmem>>[vector<16xi32>, vector<16xi32>], vector<16xf32>,
      %mul3A_268 = arith.mulf %broadcast_in_dim3A_259, %gather3A_267 : vector<16xf32>
      %add3A_269 = arith.addf %broadcast_in_dim3A_7, %mul3A_268 : vector<16xf32>
      %add3A_270 = arith.constant 16 : i32
      %add3A_271 = vector.broadcast %add3A_270 : i32 to vector<16xi32>
      %add3A_272 = arith.addi %add3A_271, %iota3A : vector<16xi32>
      %gather3A_273 = arith.constant 0 : i32
      %gather3A_274 = arith.constant 0 : i32
      %gather3A_275 = arith.constant 0 : i32
      %gather3A_276 = tpu.memref_slice %arg12[%gather3A_273, %gather3A_274, %gather3A_275] : memref<13x64x128xf32, #tpu.memory_space<vmem>> -> memref<1x64x128xf32, #tpu.memory_space<vmem>>
      %gather3A_277 = tpu.memref_squeeze %gather3A_276 : memref<1x64x128xf32, #tpu.memory_space<vmem>> -> memref<64x128xf32, #tpu.memory_space<vmem>>
      %gather3A_278 = tpu.vector_load_idx %gather3A_277[%add3A_272, %broadcast_in_dim3A_260] : memref<64x128xf32, #tpu.memory_space<vmem>>[vector<16xi32>, vector<16xi32>], vector<16xf32>,
      %mul3A_279 = arith.mulf %broadcast_in_dim3A_259, %gather3A_278 : vector<16xf32>
      %add3A_280 = arith.addf %broadcast_in_dim3A_9, %mul3A_279 : vector<16xf32>
      %add3A_281 = arith.constant 32 : i32
      %add3A_282 = vector.broadcast %add3A_281 : i32 to vector<16xi32>
      %add3A_283 = arith.addi %add3A_282, %iota3A : vector<16xi32>
      %gather3A_284 = arith.constant 0 : i32
      %gather3A_285 = arith.constant 0 : i32
      %gather3A_286 = arith.constant 0 : i32
      %gather3A_287 = tpu.memref_slice %arg12[%gather3A_284, %gather3A_285, %gather3A_286] : memref<13x64x128xf32, #tpu.memory_space<vmem>> -> memref<1x64x128xf32, #tpu.memory_space<vmem>>
      %gather3A_288 = tpu.memref_squeeze %gather3A_287 : memref<1x64x128xf32, #tpu.memory_space<vmem>> -> memref<64x128xf32, #tpu.memory_space<vmem>>
      %gather3A_289 = tpu.vector_load_idx %gather3A_288[%add3A_283, %broadcast_in_dim3A_260] : memref<64x128xf32, #tpu.memory_space<vmem>>[vector<16xi32>, vector<16xi32>], vector<16xf32>,
      %mul3A_290 = arith.mulf %broadcast_in_dim3A_259, %gather3A_289 : vector<16xf32>
      %add3A_291 = arith.addf %broadcast_in_dim3A_11, %mul3A_290 : vector<16xf32>
      %add3A_292 = arith.constant 48 : i32
      %add3A_293 = vector.broadcast %add3A_292 : i32 to vector<16xi32>
      %add3A_294 = arith.addi %add3A_293, %iota3A : vector<16xi32>
      %gather3A_295 = arith.constant 0 : i32
      %gather3A_296 = arith.constant 0 : i32
      %gather3A_297 = arith.constant 0 : i32
      %gather3A_298 = tpu.memref_slice %arg12[%gather3A_295, %gather3A_296, %gather3A_297] : memref<13x64x128xf32, #tpu.memory_space<vmem>> -> memref<1x64x128xf32, #tpu.memory_space<vmem>>
      %gather3A_299 = tpu.memref_squeeze %gather3A_298 : memref<1x64x128xf32, #tpu.memory_space<vmem>> -> memref<64x128xf32, #tpu.memory_space<vmem>>
      %gather3A_300 = tpu.vector_load_idx %gather3A_299[%add3A_294, %broadcast_in_dim3A_260] : memref<64x128xf32, #tpu.memory_space<vmem>>[vector<16xi32>, vector<16xi32>], vector<16xf32>,
      %mul3A_301 = arith.mulf %broadcast_in_dim3A_259, %gather3A_300 : vector<16xf32>
      %add3A_302 = arith.addf %broadcast_in_dim3A_13, %mul3A_301 : vector<16xf32>
      %dma_wait3A_303 = arith.constant 1 : i32
      %dma_wait3A_304 = arith.constant 0 : i32
      %dma_wait3A_305 = arith.constant 0 : i32
      %dma_wait3A_306 = tpu.memref_slice %arg12[%dma_wait3A_303, %dma_wait3A_304, %dma_wait3A_305] : memref<13x64x128xf32, #tpu.memory_space<vmem>> -> memref<1x64x128xf32, #tpu.memory_space<vmem>>
      %dma_wait3A_307 = tpu.memref_squeeze %dma_wait3A_306 : memref<1x64x128xf32, #tpu.memory_space<vmem>> -> memref<64x128xf32, #tpu.memory_space<vmem>>
      %dma_wait3A_308 = arith.constant 0 : i32
      %dma_wait3A_309 = tpu.memref_slice %arg5[%dma_wait3A_308, %multiple_of3A_31] : memref<64x1000000xf32, #tpu.memory_space<hbm>> -> memref<64x128xf32, #tpu.memory_space<hbm>>
      %dma_wait3A_310 = arith.constant 0 : i32
      %dma_wait3A_311 = arith.constant 0 : i32
      %dma_wait3A_312 = tpu.memref_slice %arg12[%dma_wait3A_303, %dma_wait3A_310, %dma_wait3A_311] : memref<13x64x128xf32, #tpu.memory_space<vmem>> -> memref<1x64x128xf32, #tpu.memory_space<vmem>>
      %dma_wait3A_313 = tpu.memref_squeeze %dma_wait3A_312 : memref<1x64x128xf32, #tpu.memory_space<vmem>> -> memref<64x128xf32, #tpu.memory_space<vmem>>
      %dma_wait3A_314 = arith.constant 0 : i32
      %dma_wait3A_315 = tpu.memref_slice %arg5[%dma_wait3A_314, %multiple_of3A_31] : memref<64x1000000xf32, #tpu.memory_space<hbm>> -> memref<64x128xf32, #tpu.memory_space<hbm>>
      tpu.wait_dma2 semaphore(%arg19 : memref<!tpu.dma_semaphore, #tpu.memory_space<semaphore_mem>>) src(%dma_wait3A_315 : memref<64x128xf32, #tpu.memory_space<hbm>>) dst(%dma_wait3A_313 : memref<64x128xf32, #tpu.memory_space<vmem>>)
      %slice3A_316 = vector.extract_strided_slice %get3A_4 {offsets = [1], sizes = [1], strides = [1]} : vector<16xi32> to vector<1xi32>
      %squeeze3A_317 = vector.extract %slice3A_316[0] : i32 from vector<1xi32>
      %slice3A_318 = vector.extract_strided_slice %get3A_6 {offsets = [1], sizes = [1], strides = [1]} : vector<16xf32> to vector<1xf32>
      %squeeze3A_319 = vector.extract %slice3A_318[0] : f32 from vector<1xf32>
      %broadcast_in_dim3A_320 = vector.broadcast %squeeze3A_319 : f32 to vector<16xf32>
      %broadcast_in_dim3A_321 = vector.broadcast %squeeze3A_317 : i32 to vector<16xi32>
      %add3A_322 = arith.constant 0 : i32
      %add3A_323 = vector.broadcast %add3A_322 : i32 to vector<16xi32>
      %add3A_324 = arith.addi %add3A_323, %iota3A : vector<16xi32>
      %gather3A_325 = arith.constant 1 : i32
      %gather3A_326 = arith.constant 0 : i32
      %gather3A_327 = arith.constant 0 : i32
      %gather3A_328 = tpu.memref_slice %arg12[%gather3A_325, %gather3A_326, %gather3A_327] : memref<13x64x128xf32, #tpu.memory_space<vmem>> -> memref<1x64x128xf32, #tpu.memory_space<vmem>>
      %gather3A_329 = tpu.memref_squeeze %gather3A_328 : memref<1x64x128xf32, #tpu.memory_space<vmem>> -> memref<64x128xf32, #tpu.memory_space<vmem>>
      %gather3A_330 = tpu.vector_load_idx %gather3A_329[%add3A_324, %broadcast_in_dim3A_321] : memref<64x128xf32, #tpu.memory_space<vmem>>[vector<16xi32>, vector<16xi32>], vector<16xf32>,
      %mul3A_331 = arith.mulf %broadcast_in_dim3A_320, %gather3A_330 : vector<16xf32>
      %add3A_332 = arith.addf %add3A_269, %mul3A_331 : vector<16xf32>
      %add3A_333 = arith.constant 16 : i32
      %add3A_334 = vector.broadcast %add3A_333 : i32 to vector<16xi32>
      %add3A_335 = arith.addi %add3A_334, %iota3A : vector<16xi32>
      %gather3A_336 = arith.constant 1 : i32
      %gather3A_337 = arith.constant 0 : i32
      %gather3A_338 = arith.constant 0 : i32
      %gather3A_339 = tpu.memref_slice %arg12[%gather3A_336, %gather3A_337, %gather3A_338] : memref<13x64x128xf32, #tpu.memory_space<vmem>> -> memref<1x64x128xf32, #tpu.memory_space<vmem>>
      %gather3A_340 = tpu.memref_squeeze %gather3A_339 : memref<1x64x128xf32, #tpu.memory_space<vmem>> -> memref<64x128xf32, #tpu.memory_space<vmem>>
      %gather3A_341 = tpu.vector_load_idx %gather3A_340[%add3A_335, %broadcast_in_dim3A_321] : memref<64x128xf32, #tpu.memory_space<vmem>>[vector<16xi32>, vector<16xi32>], vector<16xf32>,
      %mul3A_342 = arith.mulf %broadcast_in_dim3A_320, %gather3A_341 : vector<16xf32>
      %add3A_343 = arith.addf %add3A_280, %mul3A_342 : vector<16xf32>
      %add3A_344 = arith.constant 32 : i32
      %add3A_345 = vector.broadcast %add3A_344 : i32 to vector<16xi32>
      %add3A_346 = arith.addi %add3A_345, %iota3A : vector<16xi32>
      %gather3A_347 = arith.constant 1 : i32
      %gather3A_348 = arith.constant 0 : i32
      %gather3A_349 = arith.constant 0 : i32
      %gather3A_350 = tpu.memref_slice %arg12[%gather3A_347, %gather3A_348, %gather3A_349] : memref<13x64x128xf32, #tpu.memory_space<vmem>> -> memref<1x64x128xf32, #tpu.memory_space<vmem>>
      %gather3A_351 = tpu.memref_squeeze %gather3A_350 : memref<1x64x128xf32, #tpu.memory_space<vmem>> -> memref<64x128xf32, #tpu.memory_space<vmem>>
      %gather3A_352 = tpu.vector_load_idx %gather3A_351[%add3A_346, %broadcast_in_dim3A_321] : memref<64x128xf32, #tpu.memory_space<vmem>>[vector<16xi32>, vector<16xi32>], vector<16xf32>,
      %mul3A_353 = arith.mulf %broadcast_in_dim3A_320, %gather3A_352 : vector<16xf32>
      %add3A_354 = arith.addf %add3A_291, %mul3A_353 : vector<16xf32>
      %add3A_355 = arith.constant 48 : i32
      %add3A_356 = vector.broadcast %add3A_355 : i32 to vector<16xi32>
      %add3A_357 = arith.addi %add3A_356, %iota3A : vector<16xi32>
      %gather3A_358 = arith.constant 1 : i32
      %gather3A_359 = arith.constant 0 : i32
      %gather3A_360 = arith.constant 0 : i32
      %gather3A_361 = tpu.memref_slice %arg12[%gather3A_358, %gather3A_359, %gather3A_360] : memref<13x64x128xf32, #tpu.memory_space<vmem>> -> memref<1x64x128xf32, #tpu.memory_space<vmem>>
      %gather3A_362 = tpu.memref_squeeze %gather3A_361 : memref<1x64x128xf32, #tpu.memory_space<vmem>> -> memref<64x128xf32, #tpu.memory_space<vmem>>
      %gather3A_363 = tpu.vector_load_idx %gather3A_362[%add3A_357, %broadcast_in_dim3A_321] : memref<64x128xf32, #tpu.memory_space<vmem>>[vector<16xi32>, vector<16xi32>], vector<16xf32>,
      %mul3A_364 = arith.mulf %broadcast_in_dim3A_320, %gather3A_363 : vector<16xf32>
      %add3A_365 = arith.addf %add3A_302, %mul3A_364 : vector<16xf32>
      %dma_wait3A_366 = arith.constant 2 : i32
      %dma_wait3A_367 = arith.constant 0 : i32
      %dma_wait3A_368 = arith.constant 0 : i32
      %dma_wait3A_369 = tpu.memref_slice %arg12[%dma_wait3A_366, %dma_wait3A_367, %dma_wait3A_368] : memref<13x64x128xf32, #tpu.memory_space<vmem>> -> memref<1x64x128xf32, #tpu.memory_space<vmem>>
      %dma_wait3A_370 = tpu.memref_squeeze %dma_wait3A_369 : memref<1x64x128xf32, #tpu.memory_space<vmem>> -> memref<64x128xf32, #tpu.memory_space<vmem>>
      %dma_wait3A_371 = arith.constant 0 : i32
      %dma_wait3A_372 = tpu.memref_slice %arg5[%dma_wait3A_371, %multiple_of3A_49] : memref<64x1000000xf32, #tpu.memory_space<hbm>> -> memref<64x128xf32, #tpu.memory_space<hbm>>
      %dma_wait3A_373 = arith.constant 0 : i32
      %dma_wait3A_374 = arith.constant 0 : i32
      %dma_wait3A_375 = tpu.memref_slice %arg12[%dma_wait3A_366, %dma_wait3A_373, %dma_wait3A_374] : memref<13x64x128xf32, #tpu.memory_space<vmem>> -> memref<1x64x128xf32, #tpu.memory_space<vmem>>
      %dma_wait3A_376 = tpu.memref_squeeze %dma_wait3A_375 : memref<1x64x128xf32, #tpu.memory_space<vmem>> -> memref<64x128xf32, #tpu.memory_space<vmem>>
      %dma_wait3A_377 = arith.constant 0 : i32
      %dma_wait3A_378 = tpu.memref_slice %arg5[%dma_wait3A_377, %multiple_of3A_49] : memref<64x1000000xf32, #tpu.memory_space<hbm>> -> memref<64x128xf32, #tpu.memory_space<hbm>>
      tpu.wait_dma2 semaphore(%arg19 : memref<!tpu.dma_semaphore, #tpu.memory_space<semaphore_mem>>) src(%dma_wait3A_378 : memref<64x128xf32, #tpu.memory_space<hbm>>) dst(%dma_wait3A_376 : memref<64x128xf32, #tpu.memory_space<vmem>>)
      %slice3A_379 = vector.extract_strided_slice %get3A_4 {offsets = [2], sizes = [1], strides = [1]} : vector<16xi32> to vector<1xi32>
      %squeeze3A_380 = vector.extract %slice3A_379[0] : i32 from vector<1xi32>
      %slice3A_381 = vector.extract_strided_slice %get3A_6 {offsets = [2], sizes = [1], strides = [1]} : vector<16xf32> to vector<1xf32>
      %squeeze3A_382 = vector.extract %slice3A_381[0] : f32 from vector<1xf32>
      %broadcast_in_dim3A_383 = vector.broadcast %squeeze3A_382 : f32 to vector<16xf32>
      %broadcast_in_dim3A_384 = vector.broadcast %squeeze3A_380 : i32 to vector<16xi32>
      %add3A_385 = arith.constant 0 : i32
      %add3A_386 = vector.broadcast %add3A_385 : i32 to vector<16xi32>
      %add3A_387 = arith.addi %add3A_386, %iota3A : vector<16xi32>
      %gather3A_388 = arith.constant 2 : i32
      %gather3A_389 = arith.constant 0 : i32
      %gather3A_390 = arith.constant 0 : i32
      %gather3A_391 = tpu.memref_slice %arg12[%gather3A_388, %gather3A_389, %gather3A_390] : memref<13x64x128xf32, #tpu.memory_space<vmem>> -> memref<1x64x128xf32, #tpu.memory_space<vmem>>
      %gather3A_392 = tpu.memref_squeeze %gather3A_391 : memref<1x64x128xf32, #tpu.memory_space<vmem>> -> memref<64x128xf32, #tpu.memory_space<vmem>>
      %gather3A_393 = tpu.vector_load_idx %gather3A_392[%add3A_387, %broadcast_in_dim3A_384] : memref<64x128xf32, #tpu.memory_space<vmem>>[vector<16xi32>, vector<16xi32>], vector<16xf32>,
      %mul3A_394 = arith.mulf %broadcast_in_dim3A_383, %gather3A_393 : vector<16xf32>
      %add3A_395 = arith.addf %add3A_332, %mul3A_394 : vector<16xf32>
      %add3A_396 = arith.constant 16 : i32
      %add3A_397 = vector.broadcast %add3A_396 : i32 to vector<16xi32>
      %add3A_398 = arith.addi %add3A_397, %iota3A : vector<16xi32>
      %gather3A_399 = arith.constant 2 : i32
      %gather3A_400 = arith.constant 0 : i32
      %gather3A_401 = arith.constant 0 : i32
      %gather3A_402 = tpu.memref_slice %arg12[%gather3A_399, %gather3A_400, %gather3A_401] : memref<13x64x128xf32, #tpu.memory_space<vmem>> -> memref<1x64x128xf32, #tpu.memory_space<vmem>>
      %gather3A_403 = tpu.memref_squeeze %gather3A_402 : memref<1x64x128xf32, #tpu.memory_space<vmem>> -> memref<64x128xf32, #tpu.memory_space<vmem>>
      %gather3A_404 = tpu.vector_load_idx %gather3A_403[%add3A_398, %broadcast_in_dim3A_384] : memref<64x128xf32, #tpu.memory_space<vmem>>[vector<16xi32>, vector<16xi32>], vector<16xf32>,
      %mul3A_405 = arith.mulf %broadcast_in_dim3A_383, %gather3A_404 : vector<16xf32>
      %add3A_406 = arith.addf %add3A_343, %mul3A_405 : vector<16xf32>
      %add3A_407 = arith.constant 32 : i32
      %add3A_408 = vector.broadcast %add3A_407 : i32 to vector<16xi32>
      %add3A_409 = arith.addi %add3A_408, %iota3A : vector<16xi32>
      %gather3A_410 = arith.constant 2 : i32
      %gather3A_411 = arith.constant 0 : i32
      %gather3A_412 = arith.constant 0 : i32
      %gather3A_413 = tpu.memref_slice %arg12[%gather3A_410, %gather3A_411, %gather3A_412] : memref<13x64x128xf32, #tpu.memory_space<vmem>> -> memref<1x64x128xf32, #tpu.memory_space<vmem>>
      %gather3A_414 = tpu.memref_squeeze %gather3A_413 : memref<1x64x128xf32, #tpu.memory_space<vmem>> -> memref<64x128xf32, #tpu.memory_space<vmem>>
      %gather3A_415 = tpu.vector_load_idx %gather3A_414[%add3A_409, %broadcast_in_dim3A_384] : memref<64x128xf32, #tpu.memory_space<vmem>>[vector<16xi32>, vector<16xi32>], vector<16xf32>,
      %mul3A_416 = arith.mulf %broadcast_in_dim3A_383, %gather3A_415 : vector<16xf32>
      %add3A_417 = arith.addf %add3A_354, %mul3A_416 : vector<16xf32>
      %add3A_418 = arith.constant 48 : i32
      %add3A_419 = vector.broadcast %add3A_418 : i32 to vector<16xi32>
      %add3A_420 = arith.addi %add3A_419, %iota3A : vector<16xi32>
      %gather3A_421 = arith.constant 2 : i32
      %gather3A_422 = arith.constant 0 : i32
      %gather3A_423 = arith.constant 0 : i32
      %gather3A_424 = tpu.memref_slice %arg12[%gather3A_421, %gather3A_422, %gather3A_423] : memref<13x64x128xf32, #tpu.memory_space<vmem>> -> memref<1x64x128xf32, #tpu.memory_space<vmem>>
      %gather3A_425 = tpu.memref_squeeze %gather3A_424 : memref<1x64x128xf32, #tpu.memory_space<vmem>> -> memref<64x128xf32, #tpu.memory_space<vmem>>
      %gather3A_426 = tpu.vector_load_idx %gather3A_425[%add3A_420, %broadcast_in_dim3A_384] : memref<64x128xf32, #tpu.memory_space<vmem>>[vector<16xi32>, vector<16xi32>], vector<16xf32>,
      %mul3A_427 = arith.mulf %broadcast_in_dim3A_383, %gather3A_426 : vector<16xf32>
      %add3A_428 = arith.addf %add3A_365, %mul3A_427 : vector<16xf32>
      %dma_wait3A_429 = arith.constant 3 : i32
      %dma_wait3A_430 = arith.constant 0 : i32
      %dma_wait3A_431 = arith.constant 0 : i32
      %dma_wait3A_432 = tpu.memref_slice %arg12[%dma_wait3A_429, %dma_wait3A_430, %dma_wait3A_431] : memref<13x64x128xf32, #tpu.memory_space<vmem>> -> memref<1x64x128xf32, #tpu.memory_space<vmem>>
      %dma_wait3A_433 = tpu.memref_squeeze %dma_wait3A_432 : memref<1x64x128xf32, #tpu.memory_space<vmem>> -> memref<64x128xf32, #tpu.memory_space<vmem>>
      %dma_wait3A_434 = arith.constant 0 : i32
      %dma_wait3A_435 = tpu.memref_slice %arg5[%dma_wait3A_434, %multiple_of3A_67] : memref<64x1000000xf32, #tpu.memory_space<hbm>> -> memref<64x128xf32, #tpu.memory_space<hbm>>
      %dma_wait3A_436 = arith.constant 0 : i32
      %dma_wait3A_437 = arith.constant 0 : i32
      %dma_wait3A_438 = tpu.memref_slice %arg12[%dma_wait3A_429, %dma_wait3A_436, %dma_wait3A_437] : memref<13x64x128xf32, #tpu.memory_space<vmem>> -> memref<1x64x128xf32, #tpu.memory_space<vmem>>
      %dma_wait3A_439 = tpu.memref_squeeze %dma_wait3A_438 : memref<1x64x128xf32, #tpu.memory_space<vmem>> -> memref<64x128xf32, #tpu.memory_space<vmem>>
      %dma_wait3A_440 = arith.constant 0 : i32
      %dma_wait3A_441 = tpu.memref_slice %arg5[%dma_wait3A_440, %multiple_of3A_67] : memref<64x1000000xf32, #tpu.memory_space<hbm>> -> memref<64x128xf32, #tpu.memory_space<hbm>>
      tpu.wait_dma2 semaphore(%arg19 : memref<!tpu.dma_semaphore, #tpu.memory_space<semaphore_mem>>) src(%dma_wait3A_441 : memref<64x128xf32, #tpu.memory_space<hbm>>) dst(%dma_wait3A_439 : memref<64x128xf32, #tpu.memory_space<vmem>>)
      %slice3A_442 = vector.extract_strided_slice %get3A_4 {offsets = [3], sizes = [1], strides = [1]} : vector<16xi32> to vector<1xi32>
      %squeeze3A_443 = vector.extract %slice3A_442[0] : i32 from vector<1xi32>
      %slice3A_444 = vector.extract_strided_slice %get3A_6 {offsets = [3], sizes = [1], strides = [1]} : vector<16xf32> to vector<1xf32>
      %squeeze3A_445 = vector.extract %slice3A_444[0] : f32 from vector<1xf32>
      %broadcast_in_dim3A_446 = vector.broadcast %squeeze3A_445 : f32 to vector<16xf32>
      %broadcast_in_dim3A_447 = vector.broadcast %squeeze3A_443 : i32 to vector<16xi32>
      %add3A_448 = arith.constant 0 : i32
      %add3A_449 = vector.broadcast %add3A_448 : i32 to vector<16xi32>
      %add3A_450 = arith.addi %add3A_449, %iota3A : vector<16xi32>
      %gather3A_451 = arith.constant 3 : i32
      %gather3A_452 = arith.constant 0 : i32
      %gather3A_453 = arith.constant 0 : i32
      %gather3A_454 = tpu.memref_slice %arg12[%gather3A_451, %gather3A_452, %gather3A_453] : memref<13x64x128xf32, #tpu.memory_space<vmem>> -> memref<1x64x128xf32, #tpu.memory_space<vmem>>
      %gather3A_455 = tpu.memref_squeeze %gather3A_454 : memref<1x64x128xf32, #tpu.memory_space<vmem>> -> memref<64x128xf32, #tpu.memory_space<vmem>>
      %gather3A_456 = tpu.vector_load_idx %gather3A_455[%add3A_450, %broadcast_in_dim3A_447] : memref<64x128xf32, #tpu.memory_space<vmem>>[vector<16xi32>, vector<16xi32>], vector<16xf32>,
      %mul3A_457 = arith.mulf %broadcast_in_dim3A_446, %gather3A_456 : vector<16xf32>
      %add3A_458 = arith.addf %add3A_395, %mul3A_457 : vector<16xf32>
      %add3A_459 = arith.constant 16 : i32
      %add3A_460 = vector.broadcast %add3A_459 : i32 to vector<16xi32>
      %add3A_461 = arith.addi %add3A_460, %iota3A : vector<16xi32>
      %gather3A_462 = arith.constant 3 : i32
      %gather3A_463 = arith.constant 0 : i32
      %gather3A_464 = arith.constant 0 : i32
      %gather3A_465 = tpu.memref_slice %arg12[%gather3A_462, %gather3A_463, %gather3A_464] : memref<13x64x128xf32, #tpu.memory_space<vmem>> -> memref<1x64x128xf32, #tpu.memory_space<vmem>>
      %gather3A_466 = tpu.memref_squeeze %gather3A_465 : memref<1x64x128xf32, #tpu.memory_space<vmem>> -> memref<64x128xf32, #tpu.memory_space<vmem>>
      %gather3A_467 = tpu.vector_load_idx %gather3A_466[%add3A_461, %broadcast_in_dim3A_447] : memref<64x128xf32, #tpu.memory_space<vmem>>[vector<16xi32>, vector<16xi32>], vector<16xf32>,
      %mul3A_468 = arith.mulf %broadcast_in_dim3A_446, %gather3A_467 : vector<16xf32>
      %add3A_469 = arith.addf %add3A_406, %mul3A_468 : vector<16xf32>
      %add3A_470 = arith.constant 32 : i32
      %add3A_471 = vector.broadcast %add3A_470 : i32 to vector<16xi32>
      %add3A_472 = arith.addi %add3A_471, %iota3A : vector<16xi32>
      %gather3A_473 = arith.constant 3 : i32
      %gather3A_474 = arith.constant 0 : i32
      %gather3A_475 = arith.constant 0 : i32
      %gather3A_476 = tpu.memref_slice %arg12[%gather3A_473, %gather3A_474, %gather3A_475] : memref<13x64x128xf32, #tpu.memory_space<vmem>> -> memref<1x64x128xf32, #tpu.memory_space<vmem>>
      %gather3A_477 = tpu.memref_squeeze %gather3A_476 : memref<1x64x128xf32, #tpu.memory_space<vmem>> -> memref<64x128xf32, #tpu.memory_space<vmem>>
      %gather3A_478 = tpu.vector_load_idx %gather3A_477[%add3A_472, %broadcast_in_dim3A_447] : memref<64x128xf32, #tpu.memory_space<vmem>>[vector<16xi32>, vector<16xi32>], vector<16xf32>,
      %mul3A_479 = arith.mulf %broadcast_in_dim3A_446, %gather3A_478 : vector<16xf32>
      %add3A_480 = arith.addf %add3A_417, %mul3A_479 : vector<16xf32>
      %add3A_481 = arith.constant 48 : i32
      %add3A_482 = vector.broadcast %add3A_481 : i32 to vector<16xi32>
      %add3A_483 = arith.addi %add3A_482, %iota3A : vector<16xi32>
      %gather3A_484 = arith.constant 3 : i32
      %gather3A_485 = arith.constant 0 : i32
      %gather3A_486 = arith.constant 0 : i32
      %gather3A_487 = tpu.memref_slice %arg12[%gather3A_484, %gather3A_485, %gather3A_486] : memref<13x64x128xf32, #tpu.memory_space<vmem>> -> memref<1x64x128xf32, #tpu.memory_space<vmem>>
      %gather3A_488 = tpu.memref_squeeze %gather3A_487 : memref<1x64x128xf32, #tpu.memory_space<vmem>> -> memref<64x128xf32, #tpu.memory_space<vmem>>
      %gather3A_489 = tpu.vector_load_idx %gather3A_488[%add3A_483, %broadcast_in_dim3A_447] : memref<64x128xf32, #tpu.memory_space<vmem>>[vector<16xi32>, vector<16xi32>], vector<16xf32>,
      %mul3A_490 = arith.mulf %broadcast_in_dim3A_446, %gather3A_489 : vector<16xf32>
      %add3A_491 = arith.addf %add3A_428, %mul3A_490 : vector<16xf32>
      %dma_wait3A_492 = arith.constant 4 : i32
      %dma_wait3A_493 = arith.constant 0 : i32
      %dma_wait3A_494 = arith.constant 0 : i32
      %dma_wait3A_495 = tpu.memref_slice %arg12[%dma_wait3A_492, %dma_wait3A_493, %dma_wait3A_494] : memref<13x64x128xf32, #tpu.memory_space<vmem>> -> memref<1x64x128xf32, #tpu.memory_space<vmem>>
      %dma_wait3A_496 = tpu.memref_squeeze %dma_wait3A_495 : memref<1x64x128xf32, #tpu.memory_space<vmem>> -> memref<64x128xf32, #tpu.memory_space<vmem>>
      %dma_wait3A_497 = arith.constant 0 : i32
      %dma_wait3A_498 = tpu.memref_slice %arg5[%dma_wait3A_497, %multiple_of3A_85] : memref<64x1000000xf32, #tpu.memory_space<hbm>> -> memref<64x128xf32, #tpu.memory_space<hbm>>
      %dma_wait3A_499 = arith.constant 0 : i32
      %dma_wait3A_500 = arith.constant 0 : i32
      %dma_wait3A_501 = tpu.memref_slice %arg12[%dma_wait3A_492, %dma_wait3A_499, %dma_wait3A_500] : memref<13x64x128xf32, #tpu.memory_space<vmem>> -> memref<1x64x128xf32, #tpu.memory_space<vmem>>
      %dma_wait3A_502 = tpu.memref_squeeze %dma_wait3A_501 : memref<1x64x128xf32, #tpu.memory_space<vmem>> -> memref<64x128xf32, #tpu.memory_space<vmem>>
      %dma_wait3A_503 = arith.constant 0 : i32
      %dma_wait3A_504 = tpu.memref_slice %arg5[%dma_wait3A_503, %multiple_of3A_85] : memref<64x1000000xf32, #tpu.memory_space<hbm>> -> memref<64x128xf32, #tpu.memory_space<hbm>>
      tpu.wait_dma2 semaphore(%arg19 : memref<!tpu.dma_semaphore, #tpu.memory_space<semaphore_mem>>) src(%dma_wait3A_504 : memref<64x128xf32, #tpu.memory_space<hbm>>) dst(%dma_wait3A_502 : memref<64x128xf32, #tpu.memory_space<vmem>>)
      %slice3A_505 = vector.extract_strided_slice %get3A_4 {offsets = [4], sizes = [1], strides = [1]} : vector<16xi32> to vector<1xi32>
      %squeeze3A_506 = vector.extract %slice3A_505[0] : i32 from vector<1xi32>
      %slice3A_507 = vector.extract_strided_slice %get3A_6 {offsets = [4], sizes = [1], strides = [1]} : vector<16xf32> to vector<1xf32>
      %squeeze3A_508 = vector.extract %slice3A_507[0] : f32 from vector<1xf32>
      %broadcast_in_dim3A_509 = vector.broadcast %squeeze3A_508 : f32 to vector<16xf32>
      %broadcast_in_dim3A_510 = vector.broadcast %squeeze3A_506 : i32 to vector<16xi32>
      %add3A_511 = arith.constant 0 : i32
      %add3A_512 = vector.broadcast %add3A_511 : i32 to vector<16xi32>
      %add3A_513 = arith.addi %add3A_512, %iota3A : vector<16xi32>
      %gather3A_514 = arith.constant 4 : i32
      %gather3A_515 = arith.constant 0 : i32
      %gather3A_516 = arith.constant 0 : i32
      %gather3A_517 = tpu.memref_slice %arg12[%gather3A_514, %gather3A_515, %gather3A_516] : memref<13x64x128xf32, #tpu.memory_space<vmem>> -> memref<1x64x128xf32, #tpu.memory_space<vmem>>
      %gather3A_518 = tpu.memref_squeeze %gather3A_517 : memref<1x64x128xf32, #tpu.memory_space<vmem>> -> memref<64x128xf32, #tpu.memory_space<vmem>>
      %gather3A_519 = tpu.vector_load_idx %gather3A_518[%add3A_513, %broadcast_in_dim3A_510] : memref<64x128xf32, #tpu.memory_space<vmem>>[vector<16xi32>, vector<16xi32>], vector<16xf32>,
      %mul3A_520 = arith.mulf %broadcast_in_dim3A_509, %gather3A_519 : vector<16xf32>
      %add3A_521 = arith.addf %add3A_458, %mul3A_520 : vector<16xf32>
      %add3A_522 = arith.constant 16 : i32
      %add3A_523 = vector.broadcast %add3A_522 : i32 to vector<16xi32>
      %add3A_524 = arith.addi %add3A_523, %iota3A : vector<16xi32>
      %gather3A_525 = arith.constant 4 : i32
      %gather3A_526 = arith.constant 0 : i32
      %gather3A_527 = arith.constant 0 : i32
      %gather3A_528 = tpu.memref_slice %arg12[%gather3A_525, %gather3A_526, %gather3A_527] : memref<13x64x128xf32, #tpu.memory_space<vmem>> -> memref<1x64x128xf32, #tpu.memory_space<vmem>>
      %gather3A_529 = tpu.memref_squeeze %gather3A_528 : memref<1x64x128xf32, #tpu.memory_space<vmem>> -> memref<64x128xf32, #tpu.memory_space<vmem>>
      %gather3A_530 = tpu.vector_load_idx %gather3A_529[%add3A_524, %broadcast_in_dim3A_510] : memref<64x128xf32, #tpu.memory_space<vmem>>[vector<16xi32>, vector<16xi32>], vector<16xf32>,
      %mul3A_531 = arith.mulf %broadcast_in_dim3A_509, %gather3A_530 : vector<16xf32>
      %add3A_532 = arith.addf %add3A_469, %mul3A_531 : vector<16xf32>
      %add3A_533 = arith.constant 32 : i32
      %add3A_534 = vector.broadcast %add3A_533 : i32 to vector<16xi32>
      %add3A_535 = arith.addi %add3A_534, %iota3A : vector<16xi32>
      %gather3A_536 = arith.constant 4 : i32
      %gather3A_537 = arith.constant 0 : i32
      %gather3A_538 = arith.constant 0 : i32
      %gather3A_539 = tpu.memref_slice %arg12[%gather3A_536, %gather3A_537, %gather3A_538] : memref<13x64x128xf32, #tpu.memory_space<vmem>> -> memref<1x64x128xf32, #tpu.memory_space<vmem>>
      %gather3A_540 = tpu.memref_squeeze %gather3A_539 : memref<1x64x128xf32, #tpu.memory_space<vmem>> -> memref<64x128xf32, #tpu.memory_space<vmem>>
      %gather3A_541 = tpu.vector_load_idx %gather3A_540[%add3A_535, %broadcast_in_dim3A_510] : memref<64x128xf32, #tpu.memory_space<vmem>>[vector<16xi32>, vector<16xi32>], vector<16xf32>,
      %mul3A_542 = arith.mulf %broadcast_in_dim3A_509, %gather3A_541 : vector<16xf32>
      %add3A_543 = arith.addf %add3A_480, %mul3A_542 : vector<16xf32>
      %add3A_544 = arith.constant 48 : i32
      %add3A_545 = vector.broadcast %add3A_544 : i32 to vector<16xi32>
      %add3A_546 = arith.addi %add3A_545, %iota3A : vector<16xi32>
      %gather3A_547 = arith.constant 4 : i32
      %gather3A_548 = arith.constant 0 : i32
      %gather3A_549 = arith.constant 0 : i32
      %gather3A_550 = tpu.memref_slice %arg12[%gather3A_547, %gather3A_548, %gather3A_549] : memref<13x64x128xf32, #tpu.memory_space<vmem>> -> memref<1x64x128xf32, #tpu.memory_space<vmem>>
      %gather3A_551 = tpu.memref_squeeze %gather3A_550 : memref<1x64x128xf32, #tpu.memory_space<vmem>> -> memref<64x128xf32, #tpu.memory_space<vmem>>
      %gather3A_552 = tpu.vector_load_idx %gather3A_551[%add3A_546, %broadcast_in_dim3A_510] : memref<64x128xf32, #tpu.memory_space<vmem>>[vector<16xi32>, vector<16xi32>], vector<16xf32>,
      %mul3A_553 = arith.mulf %broadcast_in_dim3A_509, %gather3A_552 : vector<16xf32>
      %add3A_554 = arith.addf %add3A_491, %mul3A_553 : vector<16xf32>
      %dma_wait3A_555 = arith.constant 5 : i32
      %dma_wait3A_556 = arith.constant 0 : i32
      %dma_wait3A_557 = arith.constant 0 : i32
      %dma_wait3A_558 = tpu.memref_slice %arg12[%dma_wait3A_555, %dma_wait3A_556, %dma_wait3A_557] : memref<13x64x128xf32, #tpu.memory_space<vmem>> -> memref<1x64x128xf32, #tpu.memory_space<vmem>>
      %dma_wait3A_559 = tpu.memref_squeeze %dma_wait3A_558 : memref<1x64x128xf32, #tpu.memory_space<vmem>> -> memref<64x128xf32, #tpu.memory_space<vmem>>
      %dma_wait3A_560 = arith.constant 0 : i32
      %dma_wait3A_561 = tpu.memref_slice %arg5[%dma_wait3A_560, %multiple_of3A_103] : memref<64x1000000xf32, #tpu.memory_space<hbm>> -> memref<64x128xf32, #tpu.memory_space<hbm>>
      %dma_wait3A_562 = arith.constant 0 : i32
      %dma_wait3A_563 = arith.constant 0 : i32
      %dma_wait3A_564 = tpu.memref_slice %arg12[%dma_wait3A_555, %dma_wait3A_562, %dma_wait3A_563] : memref<13x64x128xf32, #tpu.memory_space<vmem>> -> memref<1x64x128xf32, #tpu.memory_space<vmem>>
      %dma_wait3A_565 = tpu.memref_squeeze %dma_wait3A_564 : memref<1x64x128xf32, #tpu.memory_space<vmem>> -> memref<64x128xf32, #tpu.memory_space<vmem>>
      %dma_wait3A_566 = arith.constant 0 : i32
      %dma_wait3A_567 = tpu.memref_slice %arg5[%dma_wait3A_566, %multiple_of3A_103] : memref<64x1000000xf32, #tpu.memory_space<hbm>> -> memref<64x128xf32, #tpu.memory_space<hbm>>
      tpu.wait_dma2 semaphore(%arg19 : memref<!tpu.dma_semaphore, #tpu.memory_space<semaphore_mem>>) src(%dma_wait3A_567 : memref<64x128xf32, #tpu.memory_space<hbm>>) dst(%dma_wait3A_565 : memref<64x128xf32, #tpu.memory_space<vmem>>)
      %slice3A_568 = vector.extract_strided_slice %get3A_4 {offsets = [5], sizes = [1], strides = [1]} : vector<16xi32> to vector<1xi32>
      %squeeze3A_569 = vector.extract %slice3A_568[0] : i32 from vector<1xi32>
      %slice3A_570 = vector.extract_strided_slice %get3A_6 {offsets = [5], sizes = [1], strides = [1]} : vector<16xf32> to vector<1xf32>
      %squeeze3A_571 = vector.extract %slice3A_570[0] : f32 from vector<1xf32>
      %broadcast_in_dim3A_572 = vector.broadcast %squeeze3A_571 : f32 to vector<16xf32>
      %broadcast_in_dim3A_573 = vector.broadcast %squeeze3A_569 : i32 to vector<16xi32>
      %add3A_574 = arith.constant 0 : i32
      %add3A_575 = vector.broadcast %add3A_574 : i32 to vector<16xi32>
      %add3A_576 = arith.addi %add3A_575, %iota3A : vector<16xi32>
      %gather3A_577 = arith.constant 5 : i32
      %gather3A_578 = arith.constant 0 : i32
      %gather3A_579 = arith.constant 0 : i32
      %gather3A_580 = tpu.memref_slice %arg12[%gather3A_577, %gather3A_578, %gather3A_579] : memref<13x64x128xf32, #tpu.memory_space<vmem>> -> memref<1x64x128xf32, #tpu.memory_space<vmem>>
      %gather3A_581 = tpu.memref_squeeze %gather3A_580 : memref<1x64x128xf32, #tpu.memory_space<vmem>> -> memref<64x128xf32, #tpu.memory_space<vmem>>
      %gather3A_582 = tpu.vector_load_idx %gather3A_581[%add3A_576, %broadcast_in_dim3A_573] : memref<64x128xf32, #tpu.memory_space<vmem>>[vector<16xi32>, vector<16xi32>], vector<16xf32>,
      %mul3A_583 = arith.mulf %broadcast_in_dim3A_572, %gather3A_582 : vector<16xf32>
      %add3A_584 = arith.addf %add3A_521, %mul3A_583 : vector<16xf32>
      %add3A_585 = arith.constant 16 : i32
      %add3A_586 = vector.broadcast %add3A_585 : i32 to vector<16xi32>
      %add3A_587 = arith.addi %add3A_586, %iota3A : vector<16xi32>
      %gather3A_588 = arith.constant 5 : i32
      %gather3A_589 = arith.constant 0 : i32
      %gather3A_590 = arith.constant 0 : i32
      %gather3A_591 = tpu.memref_slice %arg12[%gather3A_588, %gather3A_589, %gather3A_590] : memref<13x64x128xf32, #tpu.memory_space<vmem>> -> memref<1x64x128xf32, #tpu.memory_space<vmem>>
      %gather3A_592 = tpu.memref_squeeze %gather3A_591 : memref<1x64x128xf32, #tpu.memory_space<vmem>> -> memref<64x128xf32, #tpu.memory_space<vmem>>
      %gather3A_593 = tpu.vector_load_idx %gather3A_592[%add3A_587, %broadcast_in_dim3A_573] : memref<64x128xf32, #tpu.memory_space<vmem>>[vector<16xi32>, vector<16xi32>], vector<16xf32>,
      %mul3A_594 = arith.mulf %broadcast_in_dim3A_572, %gather3A_593 : vector<16xf32>
      %add3A_595 = arith.addf %add3A_532, %mul3A_594 : vector<16xf32>
      %add3A_596 = arith.constant 32 : i32
      %add3A_597 = vector.broadcast %add3A_596 : i32 to vector<16xi32>
      %add3A_598 = arith.addi %add3A_597, %iota3A : vector<16xi32>
      %gather3A_599 = arith.constant 5 : i32
      %gather3A_600 = arith.constant 0 : i32
      %gather3A_601 = arith.constant 0 : i32
      %gather3A_602 = tpu.memref_slice %arg12[%gather3A_599, %gather3A_600, %gather3A_601] : memref<13x64x128xf32, #tpu.memory_space<vmem>> -> memref<1x64x128xf32, #tpu.memory_space<vmem>>
      %gather3A_603 = tpu.memref_squeeze %gather3A_602 : memref<1x64x128xf32, #tpu.memory_space<vmem>> -> memref<64x128xf32, #tpu.memory_space<vmem>>
      %gather3A_604 = tpu.vector_load_idx %gather3A_603[%add3A_598, %broadcast_in_dim3A_573] : memref<64x128xf32, #tpu.memory_space<vmem>>[vector<16xi32>, vector<16xi32>], vector<16xf32>,
      %mul3A_605 = arith.mulf %broadcast_in_dim3A_572, %gather3A_604 : vector<16xf32>
      %add3A_606 = arith.addf %add3A_543, %mul3A_605 : vector<16xf32>
      %add3A_607 = arith.constant 48 : i32
      %add3A_608 = vector.broadcast %add3A_607 : i32 to vector<16xi32>
      %add3A_609 = arith.addi %add3A_608, %iota3A : vector<16xi32>
      %gather3A_610 = arith.constant 5 : i32
      %gather3A_611 = arith.constant 0 : i32
      %gather3A_612 = arith.constant 0 : i32
      %gather3A_613 = tpu.memref_slice %arg12[%gather3A_610, %gather3A_611, %gather3A_612] : memref<13x64x128xf32, #tpu.memory_space<vmem>> -> memref<1x64x128xf32, #tpu.memory_space<vmem>>
      %gather3A_614 = tpu.memref_squeeze %gather3A_613 : memref<1x64x128xf32, #tpu.memory_space<vmem>> -> memref<64x128xf32, #tpu.memory_space<vmem>>
      %gather3A_615 = tpu.vector_load_idx %gather3A_614[%add3A_609, %broadcast_in_dim3A_573] : memref<64x128xf32, #tpu.memory_space<vmem>>[vector<16xi32>, vector<16xi32>], vector<16xf32>,
      %mul3A_616 = arith.mulf %broadcast_in_dim3A_572, %gather3A_615 : vector<16xf32>
      %add3A_617 = arith.addf %add3A_554, %mul3A_616 : vector<16xf32>
      %dma_wait3A_618 = arith.constant 6 : i32
      %dma_wait3A_619 = arith.constant 0 : i32
      %dma_wait3A_620 = arith.constant 0 : i32
      %dma_wait3A_621 = tpu.memref_slice %arg12[%dma_wait3A_618, %dma_wait3A_619, %dma_wait3A_620] : memref<13x64x128xf32, #tpu.memory_space<vmem>> -> memref<1x64x128xf32, #tpu.memory_space<vmem>>
      %dma_wait3A_622 = tpu.memref_squeeze %dma_wait3A_621 : memref<1x64x128xf32, #tpu.memory_space<vmem>> -> memref<64x128xf32, #tpu.memory_space<vmem>>
      %dma_wait3A_623 = arith.constant 0 : i32
      %dma_wait3A_624 = tpu.memref_slice %arg5[%dma_wait3A_623, %multiple_of3A_121] : memref<64x1000000xf32, #tpu.memory_space<hbm>> -> memref<64x128xf32, #tpu.memory_space<hbm>>
      %dma_wait3A_625 = arith.constant 0 : i32
      %dma_wait3A_626 = arith.constant 0 : i32
      %dma_wait3A_627 = tpu.memref_slice %arg12[%dma_wait3A_618, %dma_wait3A_625, %dma_wait3A_626] : memref<13x64x128xf32, #tpu.memory_space<vmem>> -> memref<1x64x128xf32, #tpu.memory_space<vmem>>
      %dma_wait3A_628 = tpu.memref_squeeze %dma_wait3A_627 : memref<1x64x128xf32, #tpu.memory_space<vmem>> -> memref<64x128xf32, #tpu.memory_space<vmem>>
      %dma_wait3A_629 = arith.constant 0 : i32
      %dma_wait3A_630 = tpu.memref_slice %arg5[%dma_wait3A_629, %multiple_of3A_121] : memref<64x1000000xf32, #tpu.memory_space<hbm>> -> memref<64x128xf32, #tpu.memory_space<hbm>>
      tpu.wait_dma2 semaphore(%arg19 : memref<!tpu.dma_semaphore, #tpu.memory_space<semaphore_mem>>) src(%dma_wait3A_630 : memref<64x128xf32, #tpu.memory_space<hbm>>) dst(%dma_wait3A_628 : memref<64x128xf32, #tpu.memory_space<vmem>>)
      %slice3A_631 = vector.extract_strided_slice %get3A_4 {offsets = [6], sizes = [1], strides = [1]} : vector<16xi32> to vector<1xi32>
      %squeeze3A_632 = vector.extract %slice3A_631[0] : i32 from vector<1xi32>
      %slice3A_633 = vector.extract_strided_slice %get3A_6 {offsets = [6], sizes = [1], strides = [1]} : vector<16xf32> to vector<1xf32>
      %squeeze3A_634 = vector.extract %slice3A_633[0] : f32 from vector<1xf32>
      %broadcast_in_dim3A_635 = vector.broadcast %squeeze3A_634 : f32 to vector<16xf32>
      %broadcast_in_dim3A_636 = vector.broadcast %squeeze3A_632 : i32 to vector<16xi32>
      %add3A_637 = arith.constant 0 : i32
      %add3A_638 = vector.broadcast %add3A_637 : i32 to vector<16xi32>
      %add3A_639 = arith.addi %add3A_638, %iota3A : vector<16xi32>
      %gather3A_640 = arith.constant 6 : i32
      %gather3A_641 = arith.constant 0 : i32
      %gather3A_642 = arith.constant 0 : i32
      %gather3A_643 = tpu.memref_slice %arg12[%gather3A_640, %gather3A_641, %gather3A_642] : memref<13x64x128xf32, #tpu.memory_space<vmem>> -> memref<1x64x128xf32, #tpu.memory_space<vmem>>
      %gather3A_644 = tpu.memref_squeeze %gather3A_643 : memref<1x64x128xf32, #tpu.memory_space<vmem>> -> memref<64x128xf32, #tpu.memory_space<vmem>>
      %gather3A_645 = tpu.vector_load_idx %gather3A_644[%add3A_639, %broadcast_in_dim3A_636] : memref<64x128xf32, #tpu.memory_space<vmem>>[vector<16xi32>, vector<16xi32>], vector<16xf32>,
      %mul3A_646 = arith.mulf %broadcast_in_dim3A_635, %gather3A_645 : vector<16xf32>
      %add3A_647 = arith.addf %add3A_584, %mul3A_646 : vector<16xf32>
      %add3A_648 = arith.constant 16 : i32
      %add3A_649 = vector.broadcast %add3A_648 : i32 to vector<16xi32>
      %add3A_650 = arith.addi %add3A_649, %iota3A : vector<16xi32>
      %gather3A_651 = arith.constant 6 : i32
      %gather3A_652 = arith.constant 0 : i32
      %gather3A_653 = arith.constant 0 : i32
      %gather3A_654 = tpu.memref_slice %arg12[%gather3A_651, %gather3A_652, %gather3A_653] : memref<13x64x128xf32, #tpu.memory_space<vmem>> -> memref<1x64x128xf32, #tpu.memory_space<vmem>>
      %gather3A_655 = tpu.memref_squeeze %gather3A_654 : memref<1x64x128xf32, #tpu.memory_space<vmem>> -> memref<64x128xf32, #tpu.memory_space<vmem>>
      %gather3A_656 = tpu.vector_load_idx %gather3A_655[%add3A_650, %broadcast_in_dim3A_636] : memref<64x128xf32, #tpu.memory_space<vmem>>[vector<16xi32>, vector<16xi32>], vector<16xf32>,
      %mul3A_657 = arith.mulf %broadcast_in_dim3A_635, %gather3A_656 : vector<16xf32>
      %add3A_658 = arith.addf %add3A_595, %mul3A_657 : vector<16xf32>
      %add3A_659 = arith.constant 32 : i32
      %add3A_660 = vector.broadcast %add3A_659 : i32 to vector<16xi32>
      %add3A_661 = arith.addi %add3A_660, %iota3A : vector<16xi32>
      %gather3A_662 = arith.constant 6 : i32
      %gather3A_663 = arith.constant 0 : i32
      %gather3A_664 = arith.constant 0 : i32
      %gather3A_665 = tpu.memref_slice %arg12[%gather3A_662, %gather3A_663, %gather3A_664] : memref<13x64x128xf32, #tpu.memory_space<vmem>> -> memref<1x64x128xf32, #tpu.memory_space<vmem>>
      %gather3A_666 = tpu.memref_squeeze %gather3A_665 : memref<1x64x128xf32, #tpu.memory_space<vmem>> -> memref<64x128xf32, #tpu.memory_space<vmem>>
      %gather3A_667 = tpu.vector_load_idx %gather3A_666[%add3A_661, %broadcast_in_dim3A_636] : memref<64x128xf32, #tpu.memory_space<vmem>>[vector<16xi32>, vector<16xi32>], vector<16xf32>,
      %mul3A_668 = arith.mulf %broadcast_in_dim3A_635, %gather3A_667 : vector<16xf32>
      %add3A_669 = arith.addf %add3A_606, %mul3A_668 : vector<16xf32>
      %add3A_670 = arith.constant 48 : i32
      %add3A_671 = vector.broadcast %add3A_670 : i32 to vector<16xi32>
      %add3A_672 = arith.addi %add3A_671, %iota3A : vector<16xi32>
      %gather3A_673 = arith.constant 6 : i32
      %gather3A_674 = arith.constant 0 : i32
      %gather3A_675 = arith.constant 0 : i32
      %gather3A_676 = tpu.memref_slice %arg12[%gather3A_673, %gather3A_674, %gather3A_675] : memref<13x64x128xf32, #tpu.memory_space<vmem>> -> memref<1x64x128xf32, #tpu.memory_space<vmem>>
      %gather3A_677 = tpu.memref_squeeze %gather3A_676 : memref<1x64x128xf32, #tpu.memory_space<vmem>> -> memref<64x128xf32, #tpu.memory_space<vmem>>
      %gather3A_678 = tpu.vector_load_idx %gather3A_677[%add3A_672, %broadcast_in_dim3A_636] : memref<64x128xf32, #tpu.memory_space<vmem>>[vector<16xi32>, vector<16xi32>], vector<16xf32>,
      %mul3A_679 = arith.mulf %broadcast_in_dim3A_635, %gather3A_678 : vector<16xf32>
      %add3A_680 = arith.addf %add3A_617, %mul3A_679 : vector<16xf32>
      %dma_wait3A_681 = arith.constant 7 : i32
      %dma_wait3A_682 = arith.constant 0 : i32
      %dma_wait3A_683 = arith.constant 0 : i32
      %dma_wait3A_684 = tpu.memref_slice %arg12[%dma_wait3A_681, %dma_wait3A_682, %dma_wait3A_683] : memref<13x64x128xf32, #tpu.memory_space<vmem>> -> memref<1x64x128xf32, #tpu.memory_space<vmem>>
      %dma_wait3A_685 = tpu.memref_squeeze %dma_wait3A_684 : memref<1x64x128xf32, #tpu.memory_space<vmem>> -> memref<64x128xf32, #tpu.memory_space<vmem>>
      %dma_wait3A_686 = arith.constant 0 : i32
      %dma_wait3A_687 = tpu.memref_slice %arg5[%dma_wait3A_686, %multiple_of3A_139] : memref<64x1000000xf32, #tpu.memory_space<hbm>> -> memref<64x128xf32, #tpu.memory_space<hbm>>
      %dma_wait3A_688 = arith.constant 0 : i32
      %dma_wait3A_689 = arith.constant 0 : i32
      %dma_wait3A_690 = tpu.memref_slice %arg12[%dma_wait3A_681, %dma_wait3A_688, %dma_wait3A_689] : memref<13x64x128xf32, #tpu.memory_space<vmem>> -> memref<1x64x128xf32, #tpu.memory_space<vmem>>
      %dma_wait3A_691 = tpu.memref_squeeze %dma_wait3A_690 : memref<1x64x128xf32, #tpu.memory_space<vmem>> -> memref<64x128xf32, #tpu.memory_space<vmem>>
      %dma_wait3A_692 = arith.constant 0 : i32
      %dma_wait3A_693 = tpu.memref_slice %arg5[%dma_wait3A_692, %multiple_of3A_139] : memref<64x1000000xf32, #tpu.memory_space<hbm>> -> memref<64x128xf32, #tpu.memory_space<hbm>>
      tpu.wait_dma2 semaphore(%arg19 : memref<!tpu.dma_semaphore, #tpu.memory_space<semaphore_mem>>) src(%dma_wait3A_693 : memref<64x128xf32, #tpu.memory_space<hbm>>) dst(%dma_wait3A_691 : memref<64x128xf32, #tpu.memory_space<vmem>>)
      %slice3A_694 = vector.extract_strided_slice %get3A_4 {offsets = [7], sizes = [1], strides = [1]} : vector<16xi32> to vector<1xi32>
      %squeeze3A_695 = vector.extract %slice3A_694[0] : i32 from vector<1xi32>
      %slice3A_696 = vector.extract_strided_slice %get3A_6 {offsets = [7], sizes = [1], strides = [1]} : vector<16xf32> to vector<1xf32>
      %squeeze3A_697 = vector.extract %slice3A_696[0] : f32 from vector<1xf32>
      %broadcast_in_dim3A_698 = vector.broadcast %squeeze3A_697 : f32 to vector<16xf32>
      %broadcast_in_dim3A_699 = vector.broadcast %squeeze3A_695 : i32 to vector<16xi32>
      %add3A_700 = arith.constant 0 : i32
      %add3A_701 = vector.broadcast %add3A_700 : i32 to vector<16xi32>
      %add3A_702 = arith.addi %add3A_701, %iota3A : vector<16xi32>
      %gather3A_703 = arith.constant 7 : i32
      %gather3A_704 = arith.constant 0 : i32
      %gather3A_705 = arith.constant 0 : i32
      %gather3A_706 = tpu.memref_slice %arg12[%gather3A_703, %gather3A_704, %gather3A_705] : memref<13x64x128xf32, #tpu.memory_space<vmem>> -> memref<1x64x128xf32, #tpu.memory_space<vmem>>
      %gather3A_707 = tpu.memref_squeeze %gather3A_706 : memref<1x64x128xf32, #tpu.memory_space<vmem>> -> memref<64x128xf32, #tpu.memory_space<vmem>>
      %gather3A_708 = tpu.vector_load_idx %gather3A_707[%add3A_702, %broadcast_in_dim3A_699] : memref<64x128xf32, #tpu.memory_space<vmem>>[vector<16xi32>, vector<16xi32>], vector<16xf32>,
      %mul3A_709 = arith.mulf %broadcast_in_dim3A_698, %gather3A_708 : vector<16xf32>
      %add3A_710 = arith.addf %add3A_647, %mul3A_709 : vector<16xf32>
      %add3A_711 = arith.constant 16 : i32
      %add3A_712 = vector.broadcast %add3A_711 : i32 to vector<16xi32>
      %add3A_713 = arith.addi %add3A_712, %iota3A : vector<16xi32>
      %gather3A_714 = arith.constant 7 : i32
      %gather3A_715 = arith.constant 0 : i32
      %gather3A_716 = arith.constant 0 : i32
      %gather3A_717 = tpu.memref_slice %arg12[%gather3A_714, %gather3A_715, %gather3A_716] : memref<13x64x128xf32, #tpu.memory_space<vmem>> -> memref<1x64x128xf32, #tpu.memory_space<vmem>>
      %gather3A_718 = tpu.memref_squeeze %gather3A_717 : memref<1x64x128xf32, #tpu.memory_space<vmem>> -> memref<64x128xf32, #tpu.memory_space<vmem>>
      %gather3A_719 = tpu.vector_load_idx %gather3A_718[%add3A_713, %broadcast_in_dim3A_699] : memref<64x128xf32, #tpu.memory_space<vmem>>[vector<16xi32>, vector<16xi32>], vector<16xf32>,
      %mul3A_720 = arith.mulf %broadcast_in_dim3A_698, %gather3A_719 : vector<16xf32>
      %add3A_721 = arith.addf %add3A_658, %mul3A_720 : vector<16xf32>
      %add3A_722 = arith.constant 32 : i32
      %add3A_723 = vector.broadcast %add3A_722 : i32 to vector<16xi32>
      %add3A_724 = arith.addi %add3A_723, %iota3A : vector<16xi32>
      %gather3A_725 = arith.constant 7 : i32
      %gather3A_726 = arith.constant 0 : i32
      %gather3A_727 = arith.constant 0 : i32
      %gather3A_728 = tpu.memref_slice %arg12[%gather3A_725, %gather3A_726, %gather3A_727] : memref<13x64x128xf32, #tpu.memory_space<vmem>> -> memref<1x64x128xf32, #tpu.memory_space<vmem>>
      %gather3A_729 = tpu.memref_squeeze %gather3A_728 : memref<1x64x128xf32, #tpu.memory_space<vmem>> -> memref<64x128xf32, #tpu.memory_space<vmem>>
      %gather3A_730 = tpu.vector_load_idx %gather3A_729[%add3A_724, %broadcast_in_dim3A_699] : memref<64x128xf32, #tpu.memory_space<vmem>>[vector<16xi32>, vector<16xi32>], vector<16xf32>,
      %mul3A_731 = arith.mulf %broadcast_in_dim3A_698, %gather3A_730 : vector<16xf32>
      %add3A_732 = arith.addf %add3A_669, %mul3A_731 : vector<16xf32>
      %add3A_733 = arith.constant 48 : i32
      %add3A_734 = vector.broadcast %add3A_733 : i32 to vector<16xi32>
      %add3A_735 = arith.addi %add3A_734, %iota3A : vector<16xi32>
      %gather3A_736 = arith.constant 7 : i32
      %gather3A_737 = arith.constant 0 : i32
      %gather3A_738 = arith.constant 0 : i32
      %gather3A_739 = tpu.memref_slice %arg12[%gather3A_736, %gather3A_737, %gather3A_738] : memref<13x64x128xf32, #tpu.memory_space<vmem>> -> memref<1x64x128xf32, #tpu.memory_space<vmem>>
      %gather3A_740 = tpu.memref_squeeze %gather3A_739 : memref<1x64x128xf32, #tpu.memory_space<vmem>> -> memref<64x128xf32, #tpu.memory_space<vmem>>
      %gather3A_741 = tpu.vector_load_idx %gather3A_740[%add3A_735, %broadcast_in_dim3A_699] : memref<64x128xf32, #tpu.memory_space<vmem>>[vector<16xi32>, vector<16xi32>], vector<16xf32>,
      %mul3A_742 = arith.mulf %broadcast_in_dim3A_698, %gather3A_741 : vector<16xf32>
      %add3A_743 = arith.addf %add3A_680, %mul3A_742 : vector<16xf32>
      %dma_wait3A_744 = arith.constant 8 : i32
      %dma_wait3A_745 = arith.constant 0 : i32
      %dma_wait3A_746 = arith.constant 0 : i32
      %dma_wait3A_747 = tpu.memref_slice %arg12[%dma_wait3A_744, %dma_wait3A_745, %dma_wait3A_746] : memref<13x64x128xf32, #tpu.memory_space<vmem>> -> memref<1x64x128xf32, #tpu.memory_space<vmem>>
      %dma_wait3A_748 = tpu.memref_squeeze %dma_wait3A_747 : memref<1x64x128xf32, #tpu.memory_space<vmem>> -> memref<64x128xf32, #tpu.memory_space<vmem>>
      %dma_wait3A_749 = arith.constant 0 : i32
      %dma_wait3A_750 = tpu.memref_slice %arg5[%dma_wait3A_749, %multiple_of3A_157] : memref<64x1000000xf32, #tpu.memory_space<hbm>> -> memref<64x128xf32, #tpu.memory_space<hbm>>
      %dma_wait3A_751 = arith.constant 0 : i32
      %dma_wait3A_752 = arith.constant 0 : i32
      %dma_wait3A_753 = tpu.memref_slice %arg12[%dma_wait3A_744, %dma_wait3A_751, %dma_wait3A_752] : memref<13x64x128xf32, #tpu.memory_space<vmem>> -> memref<1x64x128xf32, #tpu.memory_space<vmem>>
      %dma_wait3A_754 = tpu.memref_squeeze %dma_wait3A_753 : memref<1x64x128xf32, #tpu.memory_space<vmem>> -> memref<64x128xf32, #tpu.memory_space<vmem>>
      %dma_wait3A_755 = arith.constant 0 : i32
      %dma_wait3A_756 = tpu.memref_slice %arg5[%dma_wait3A_755, %multiple_of3A_157] : memref<64x1000000xf32, #tpu.memory_space<hbm>> -> memref<64x128xf32, #tpu.memory_space<hbm>>
      tpu.wait_dma2 semaphore(%arg19 : memref<!tpu.dma_semaphore, #tpu.memory_space<semaphore_mem>>) src(%dma_wait3A_756 : memref<64x128xf32, #tpu.memory_space<hbm>>) dst(%dma_wait3A_754 : memref<64x128xf32, #tpu.memory_space<vmem>>)
      %slice3A_757 = vector.extract_strided_slice %get3A_4 {offsets = [8], sizes = [1], strides = [1]} : vector<16xi32> to vector<1xi32>
      %squeeze3A_758 = vector.extract %slice3A_757[0] : i32 from vector<1xi32>
      %slice3A_759 = vector.extract_strided_slice %get3A_6 {offsets = [8], sizes = [1], strides = [1]} : vector<16xf32> to vector<1xf32>
      %squeeze3A_760 = vector.extract %slice3A_759[0] : f32 from vector<1xf32>
      %broadcast_in_dim3A_761 = vector.broadcast %squeeze3A_760 : f32 to vector<16xf32>
      %broadcast_in_dim3A_762 = vector.broadcast %squeeze3A_758 : i32 to vector<16xi32>
      %add3A_763 = arith.constant 0 : i32
      %add3A_764 = vector.broadcast %add3A_763 : i32 to vector<16xi32>
      %add3A_765 = arith.addi %add3A_764, %iota3A : vector<16xi32>
      %gather3A_766 = arith.constant 8 : i32
      %gather3A_767 = arith.constant 0 : i32
      %gather3A_768 = arith.constant 0 : i32
      %gather3A_769 = tpu.memref_slice %arg12[%gather3A_766, %gather3A_767, %gather3A_768] : memref<13x64x128xf32, #tpu.memory_space<vmem>> -> memref<1x64x128xf32, #tpu.memory_space<vmem>>
      %gather3A_770 = tpu.memref_squeeze %gather3A_769 : memref<1x64x128xf32, #tpu.memory_space<vmem>> -> memref<64x128xf32, #tpu.memory_space<vmem>>
      %gather3A_771 = tpu.vector_load_idx %gather3A_770[%add3A_765, %broadcast_in_dim3A_762] : memref<64x128xf32, #tpu.memory_space<vmem>>[vector<16xi32>, vector<16xi32>], vector<16xf32>,
      %mul3A_772 = arith.mulf %broadcast_in_dim3A_761, %gather3A_771 : vector<16xf32>
      %add3A_773 = arith.addf %add3A_710, %mul3A_772 : vector<16xf32>
      %add3A_774 = arith.constant 16 : i32
      %add3A_775 = vector.broadcast %add3A_774 : i32 to vector<16xi32>
      %add3A_776 = arith.addi %add3A_775, %iota3A : vector<16xi32>
      %gather3A_777 = arith.constant 8 : i32
      %gather3A_778 = arith.constant 0 : i32
      %gather3A_779 = arith.constant 0 : i32
      %gather3A_780 = tpu.memref_slice %arg12[%gather3A_777, %gather3A_778, %gather3A_779] : memref<13x64x128xf32, #tpu.memory_space<vmem>> -> memref<1x64x128xf32, #tpu.memory_space<vmem>>
      %gather3A_781 = tpu.memref_squeeze %gather3A_780 : memref<1x64x128xf32, #tpu.memory_space<vmem>> -> memref<64x128xf32, #tpu.memory_space<vmem>>
      %gather3A_782 = tpu.vector_load_idx %gather3A_781[%add3A_776, %broadcast_in_dim3A_762] : memref<64x128xf32, #tpu.memory_space<vmem>>[vector<16xi32>, vector<16xi32>], vector<16xf32>,
      %mul3A_783 = arith.mulf %broadcast_in_dim3A_761, %gather3A_782 : vector<16xf32>
      %add3A_784 = arith.addf %add3A_721, %mul3A_783 : vector<16xf32>
      %add3A_785 = arith.constant 32 : i32
      %add3A_786 = vector.broadcast %add3A_785 : i32 to vector<16xi32>
      %add3A_787 = arith.addi %add3A_786, %iota3A : vector<16xi32>
      %gather3A_788 = arith.constant 8 : i32
      %gather3A_789 = arith.constant 0 : i32
      %gather3A_790 = arith.constant 0 : i32
      %gather3A_791 = tpu.memref_slice %arg12[%gather3A_788, %gather3A_789, %gather3A_790] : memref<13x64x128xf32, #tpu.memory_space<vmem>> -> memref<1x64x128xf32, #tpu.memory_space<vmem>>
      %gather3A_792 = tpu.memref_squeeze %gather3A_791 : memref<1x64x128xf32, #tpu.memory_space<vmem>> -> memref<64x128xf32, #tpu.memory_space<vmem>>
      %gather3A_793 = tpu.vector_load_idx %gather3A_792[%add3A_787, %broadcast_in_dim3A_762] : memref<64x128xf32, #tpu.memory_space<vmem>>[vector<16xi32>, vector<16xi32>], vector<16xf32>,
      %mul3A_794 = arith.mulf %broadcast_in_dim3A_761, %gather3A_793 : vector<16xf32>
      %add3A_795 = arith.addf %add3A_732, %mul3A_794 : vector<16xf32>
      %add3A_796 = arith.constant 48 : i32
      %add3A_797 = vector.broadcast %add3A_796 : i32 to vector<16xi32>
      %add3A_798 = arith.addi %add3A_797, %iota3A : vector<16xi32>
      %gather3A_799 = arith.constant 8 : i32
      %gather3A_800 = arith.constant 0 : i32
      %gather3A_801 = arith.constant 0 : i32
      %gather3A_802 = tpu.memref_slice %arg12[%gather3A_799, %gather3A_800, %gather3A_801] : memref<13x64x128xf32, #tpu.memory_space<vmem>> -> memref<1x64x128xf32, #tpu.memory_space<vmem>>
      %gather3A_803 = tpu.memref_squeeze %gather3A_802 : memref<1x64x128xf32, #tpu.memory_space<vmem>> -> memref<64x128xf32, #tpu.memory_space<vmem>>
      %gather3A_804 = tpu.vector_load_idx %gather3A_803[%add3A_798, %broadcast_in_dim3A_762] : memref<64x128xf32, #tpu.memory_space<vmem>>[vector<16xi32>, vector<16xi32>], vector<16xf32>,
      %mul3A_805 = arith.mulf %broadcast_in_dim3A_761, %gather3A_804 : vector<16xf32>
      %add3A_806 = arith.addf %add3A_743, %mul3A_805 : vector<16xf32>
      %dma_wait3A_807 = arith.constant 9 : i32
      %dma_wait3A_808 = arith.constant 0 : i32
      %dma_wait3A_809 = arith.constant 0 : i32
      %dma_wait3A_810 = tpu.memref_slice %arg12[%dma_wait3A_807, %dma_wait3A_808, %dma_wait3A_809] : memref<13x64x128xf32, #tpu.memory_space<vmem>> -> memref<1x64x128xf32, #tpu.memory_space<vmem>>
      %dma_wait3A_811 = tpu.memref_squeeze %dma_wait3A_810 : memref<1x64x128xf32, #tpu.memory_space<vmem>> -> memref<64x128xf32, #tpu.memory_space<vmem>>
      %dma_wait3A_812 = arith.constant 0 : i32
      %dma_wait3A_813 = tpu.memref_slice %arg5[%dma_wait3A_812, %multiple_of3A_175] : memref<64x1000000xf32, #tpu.memory_space<hbm>> -> memref<64x128xf32, #tpu.memory_space<hbm>>
      %dma_wait3A_814 = arith.constant 0 : i32
      %dma_wait3A_815 = arith.constant 0 : i32
      %dma_wait3A_816 = tpu.memref_slice %arg12[%dma_wait3A_807, %dma_wait3A_814, %dma_wait3A_815] : memref<13x64x128xf32, #tpu.memory_space<vmem>> -> memref<1x64x128xf32, #tpu.memory_space<vmem>>
      %dma_wait3A_817 = tpu.memref_squeeze %dma_wait3A_816 : memref<1x64x128xf32, #tpu.memory_space<vmem>> -> memref<64x128xf32, #tpu.memory_space<vmem>>
      %dma_wait3A_818 = arith.constant 0 : i32
      %dma_wait3A_819 = tpu.memref_slice %arg5[%dma_wait3A_818, %multiple_of3A_175] : memref<64x1000000xf32, #tpu.memory_space<hbm>> -> memref<64x128xf32, #tpu.memory_space<hbm>>
      tpu.wait_dma2 semaphore(%arg19 : memref<!tpu.dma_semaphore, #tpu.memory_space<semaphore_mem>>) src(%dma_wait3A_819 : memref<64x128xf32, #tpu.memory_space<hbm>>) dst(%dma_wait3A_817 : memref<64x128xf32, #tpu.memory_space<vmem>>)
      %slice3A_820 = vector.extract_strided_slice %get3A_4 {offsets = [9], sizes = [1], strides = [1]} : vector<16xi32> to vector<1xi32>
      %squeeze3A_821 = vector.extract %slice3A_820[0] : i32 from vector<1xi32>
      %slice3A_822 = vector.extract_strided_slice %get3A_6 {offsets = [9], sizes = [1], strides = [1]} : vector<16xf32> to vector<1xf32>
      %squeeze3A_823 = vector.extract %slice3A_822[0] : f32 from vector<1xf32>
      %broadcast_in_dim3A_824 = vector.broadcast %squeeze3A_823 : f32 to vector<16xf32>
      %broadcast_in_dim3A_825 = vector.broadcast %squeeze3A_821 : i32 to vector<16xi32>
      %add3A_826 = arith.constant 0 : i32
      %add3A_827 = vector.broadcast %add3A_826 : i32 to vector<16xi32>
      %add3A_828 = arith.addi %add3A_827, %iota3A : vector<16xi32>
      %gather3A_829 = arith.constant 9 : i32
      %gather3A_830 = arith.constant 0 : i32
      %gather3A_831 = arith.constant 0 : i32
      %gather3A_832 = tpu.memref_slice %arg12[%gather3A_829, %gather3A_830, %gather3A_831] : memref<13x64x128xf32, #tpu.memory_space<vmem>> -> memref<1x64x128xf32, #tpu.memory_space<vmem>>
      %gather3A_833 = tpu.memref_squeeze %gather3A_832 : memref<1x64x128xf32, #tpu.memory_space<vmem>> -> memref<64x128xf32, #tpu.memory_space<vmem>>
      %gather3A_834 = tpu.vector_load_idx %gather3A_833[%add3A_828, %broadcast_in_dim3A_825] : memref<64x128xf32, #tpu.memory_space<vmem>>[vector<16xi32>, vector<16xi32>], vector<16xf32>,
      %mul3A_835 = arith.mulf %broadcast_in_dim3A_824, %gather3A_834 : vector<16xf32>
      %add3A_836 = arith.addf %add3A_773, %mul3A_835 : vector<16xf32>
      %add3A_837 = arith.constant 16 : i32
      %add3A_838 = vector.broadcast %add3A_837 : i32 to vector<16xi32>
      %add3A_839 = arith.addi %add3A_838, %iota3A : vector<16xi32>
      %gather3A_840 = arith.constant 9 : i32
      %gather3A_841 = arith.constant 0 : i32
      %gather3A_842 = arith.constant 0 : i32
      %gather3A_843 = tpu.memref_slice %arg12[%gather3A_840, %gather3A_841, %gather3A_842] : memref<13x64x128xf32, #tpu.memory_space<vmem>> -> memref<1x64x128xf32, #tpu.memory_space<vmem>>
      %gather3A_844 = tpu.memref_squeeze %gather3A_843 : memref<1x64x128xf32, #tpu.memory_space<vmem>> -> memref<64x128xf32, #tpu.memory_space<vmem>>
      %gather3A_845 = tpu.vector_load_idx %gather3A_844[%add3A_839, %broadcast_in_dim3A_825] : memref<64x128xf32, #tpu.memory_space<vmem>>[vector<16xi32>, vector<16xi32>], vector<16xf32>,
      %mul3A_846 = arith.mulf %broadcast_in_dim3A_824, %gather3A_845 : vector<16xf32>
      %add3A_847 = arith.addf %add3A_784, %mul3A_846 : vector<16xf32>
      %add3A_848 = arith.constant 32 : i32
      %add3A_849 = vector.broadcast %add3A_848 : i32 to vector<16xi32>
      %add3A_850 = arith.addi %add3A_849, %iota3A : vector<16xi32>
      %gather3A_851 = arith.constant 9 : i32
      %gather3A_852 = arith.constant 0 : i32
      %gather3A_853 = arith.constant 0 : i32
      %gather3A_854 = tpu.memref_slice %arg12[%gather3A_851, %gather3A_852, %gather3A_853] : memref<13x64x128xf32, #tpu.memory_space<vmem>> -> memref<1x64x128xf32, #tpu.memory_space<vmem>>
      %gather3A_855 = tpu.memref_squeeze %gather3A_854 : memref<1x64x128xf32, #tpu.memory_space<vmem>> -> memref<64x128xf32, #tpu.memory_space<vmem>>
      %gather3A_856 = tpu.vector_load_idx %gather3A_855[%add3A_850, %broadcast_in_dim3A_825] : memref<64x128xf32, #tpu.memory_space<vmem>>[vector<16xi32>, vector<16xi32>], vector<16xf32>,
      %mul3A_857 = arith.mulf %broadcast_in_dim3A_824, %gather3A_856 : vector<16xf32>
      %add3A_858 = arith.addf %add3A_795, %mul3A_857 : vector<16xf32>
      %add3A_859 = arith.constant 48 : i32
      %add3A_860 = vector.broadcast %add3A_859 : i32 to vector<16xi32>
      %add3A_861 = arith.addi %add3A_860, %iota3A : vector<16xi32>
      %gather3A_862 = arith.constant 9 : i32
      %gather3A_863 = arith.constant 0 : i32
      %gather3A_864 = arith.constant 0 : i32
      %gather3A_865 = tpu.memref_slice %arg12[%gather3A_862, %gather3A_863, %gather3A_864] : memref<13x64x128xf32, #tpu.memory_space<vmem>> -> memref<1x64x128xf32, #tpu.memory_space<vmem>>
      %gather3A_866 = tpu.memref_squeeze %gather3A_865 : memref<1x64x128xf32, #tpu.memory_space<vmem>> -> memref<64x128xf32, #tpu.memory_space<vmem>>
      %gather3A_867 = tpu.vector_load_idx %gather3A_866[%add3A_861, %broadcast_in_dim3A_825] : memref<64x128xf32, #tpu.memory_space<vmem>>[vector<16xi32>, vector<16xi32>], vector<16xf32>,
      %mul3A_868 = arith.mulf %broadcast_in_dim3A_824, %gather3A_867 : vector<16xf32>
      %add3A_869 = arith.addf %add3A_806, %mul3A_868 : vector<16xf32>
      %dma_wait3A_870 = arith.constant 10 : i32
      %dma_wait3A_871 = arith.constant 0 : i32
      %dma_wait3A_872 = arith.constant 0 : i32
      %dma_wait3A_873 = tpu.memref_slice %arg12[%dma_wait3A_870, %dma_wait3A_871, %dma_wait3A_872] : memref<13x64x128xf32, #tpu.memory_space<vmem>> -> memref<1x64x128xf32, #tpu.memory_space<vmem>>
      %dma_wait3A_874 = tpu.memref_squeeze %dma_wait3A_873 : memref<1x64x128xf32, #tpu.memory_space<vmem>> -> memref<64x128xf32, #tpu.memory_space<vmem>>
      %dma_wait3A_875 = arith.constant 0 : i32
      %dma_wait3A_876 = tpu.memref_slice %arg5[%dma_wait3A_875, %multiple_of3A_193] : memref<64x1000000xf32, #tpu.memory_space<hbm>> -> memref<64x128xf32, #tpu.memory_space<hbm>>
      %dma_wait3A_877 = arith.constant 0 : i32
      %dma_wait3A_878 = arith.constant 0 : i32
      %dma_wait3A_879 = tpu.memref_slice %arg12[%dma_wait3A_870, %dma_wait3A_877, %dma_wait3A_878] : memref<13x64x128xf32, #tpu.memory_space<vmem>> -> memref<1x64x128xf32, #tpu.memory_space<vmem>>
      %dma_wait3A_880 = tpu.memref_squeeze %dma_wait3A_879 : memref<1x64x128xf32, #tpu.memory_space<vmem>> -> memref<64x128xf32, #tpu.memory_space<vmem>>
      %dma_wait3A_881 = arith.constant 0 : i32
      %dma_wait3A_882 = tpu.memref_slice %arg5[%dma_wait3A_881, %multiple_of3A_193] : memref<64x1000000xf32, #tpu.memory_space<hbm>> -> memref<64x128xf32, #tpu.memory_space<hbm>>
      tpu.wait_dma2 semaphore(%arg19 : memref<!tpu.dma_semaphore, #tpu.memory_space<semaphore_mem>>) src(%dma_wait3A_882 : memref<64x128xf32, #tpu.memory_space<hbm>>) dst(%dma_wait3A_880 : memref<64x128xf32, #tpu.memory_space<vmem>>)
      %slice3A_883 = vector.extract_strided_slice %get3A_4 {offsets = [10], sizes = [1], strides = [1]} : vector<16xi32> to vector<1xi32>
      %squeeze3A_884 = vector.extract %slice3A_883[0] : i32 from vector<1xi32>
      %slice3A_885 = vector.extract_strided_slice %get3A_6 {offsets = [10], sizes = [1], strides = [1]} : vector<16xf32> to vector<1xf32>
      %squeeze3A_886 = vector.extract %slice3A_885[0] : f32 from vector<1xf32>
      %broadcast_in_dim3A_887 = vector.broadcast %squeeze3A_886 : f32 to vector<16xf32>
      %broadcast_in_dim3A_888 = vector.broadcast %squeeze3A_884 : i32 to vector<16xi32>
      %add3A_889 = arith.constant 0 : i32
      %add3A_890 = vector.broadcast %add3A_889 : i32 to vector<16xi32>
      %add3A_891 = arith.addi %add3A_890, %iota3A : vector<16xi32>
      %gather3A_892 = arith.constant 10 : i32
      %gather3A_893 = arith.constant 0 : i32
      %gather3A_894 = arith.constant 0 : i32
      %gather3A_895 = tpu.memref_slice %arg12[%gather3A_892, %gather3A_893, %gather3A_894] : memref<13x64x128xf32, #tpu.memory_space<vmem>> -> memref<1x64x128xf32, #tpu.memory_space<vmem>>
      %gather3A_896 = tpu.memref_squeeze %gather3A_895 : memref<1x64x128xf32, #tpu.memory_space<vmem>> -> memref<64x128xf32, #tpu.memory_space<vmem>>
      %gather3A_897 = tpu.vector_load_idx %gather3A_896[%add3A_891, %broadcast_in_dim3A_888] : memref<64x128xf32, #tpu.memory_space<vmem>>[vector<16xi32>, vector<16xi32>], vector<16xf32>,
      %mul3A_898 = arith.mulf %broadcast_in_dim3A_887, %gather3A_897 : vector<16xf32>
      %add3A_899 = arith.addf %add3A_836, %mul3A_898 : vector<16xf32>
      %add3A_900 = arith.constant 16 : i32
      %add3A_901 = vector.broadcast %add3A_900 : i32 to vector<16xi32>
      %add3A_902 = arith.addi %add3A_901, %iota3A : vector<16xi32>
      %gather3A_903 = arith.constant 10 : i32
      %gather3A_904 = arith.constant 0 : i32
      %gather3A_905 = arith.constant 0 : i32
      %gather3A_906 = tpu.memref_slice %arg12[%gather3A_903, %gather3A_904, %gather3A_905] : memref<13x64x128xf32, #tpu.memory_space<vmem>> -> memref<1x64x128xf32, #tpu.memory_space<vmem>>
      %gather3A_907 = tpu.memref_squeeze %gather3A_906 : memref<1x64x128xf32, #tpu.memory_space<vmem>> -> memref<64x128xf32, #tpu.memory_space<vmem>>
      %gather3A_908 = tpu.vector_load_idx %gather3A_907[%add3A_902, %broadcast_in_dim3A_888] : memref<64x128xf32, #tpu.memory_space<vmem>>[vector<16xi32>, vector<16xi32>], vector<16xf32>,
      %mul3A_909 = arith.mulf %broadcast_in_dim3A_887, %gather3A_908 : vector<16xf32>
      %add3A_910 = arith.addf %add3A_847, %mul3A_909 : vector<16xf32>
      %add3A_911 = arith.constant 32 : i32
      %add3A_912 = vector.broadcast %add3A_911 : i32 to vector<16xi32>
      %add3A_913 = arith.addi %add3A_912, %iota3A : vector<16xi32>
      %gather3A_914 = arith.constant 10 : i32
      %gather3A_915 = arith.constant 0 : i32
      %gather3A_916 = arith.constant 0 : i32
      %gather3A_917 = tpu.memref_slice %arg12[%gather3A_914, %gather3A_915, %gather3A_916] : memref<13x64x128xf32, #tpu.memory_space<vmem>> -> memref<1x64x128xf32, #tpu.memory_space<vmem>>
      %gather3A_918 = tpu.memref_squeeze %gather3A_917 : memref<1x64x128xf32, #tpu.memory_space<vmem>> -> memref<64x128xf32, #tpu.memory_space<vmem>>
      %gather3A_919 = tpu.vector_load_idx %gather3A_918[%add3A_913, %broadcast_in_dim3A_888] : memref<64x128xf32, #tpu.memory_space<vmem>>[vector<16xi32>, vector<16xi32>], vector<16xf32>,
      %mul3A_920 = arith.mulf %broadcast_in_dim3A_887, %gather3A_919 : vector<16xf32>
      %add3A_921 = arith.addf %add3A_858, %mul3A_920 : vector<16xf32>
      %add3A_922 = arith.constant 48 : i32
      %add3A_923 = vector.broadcast %add3A_922 : i32 to vector<16xi32>
      %add3A_924 = arith.addi %add3A_923, %iota3A : vector<16xi32>
      %gather3A_925 = arith.constant 10 : i32
      %gather3A_926 = arith.constant 0 : i32
      %gather3A_927 = arith.constant 0 : i32
      %gather3A_928 = tpu.memref_slice %arg12[%gather3A_925, %gather3A_926, %gather3A_927] : memref<13x64x128xf32, #tpu.memory_space<vmem>> -> memref<1x64x128xf32, #tpu.memory_space<vmem>>
      %gather3A_929 = tpu.memref_squeeze %gather3A_928 : memref<1x64x128xf32, #tpu.memory_space<vmem>> -> memref<64x128xf32, #tpu.memory_space<vmem>>
      %gather3A_930 = tpu.vector_load_idx %gather3A_929[%add3A_924, %broadcast_in_dim3A_888] : memref<64x128xf32, #tpu.memory_space<vmem>>[vector<16xi32>, vector<16xi32>], vector<16xf32>,
      %mul3A_931 = arith.mulf %broadcast_in_dim3A_887, %gather3A_930 : vector<16xf32>
      %add3A_932 = arith.addf %add3A_869, %mul3A_931 : vector<16xf32>
      %dma_wait3A_933 = arith.constant 11 : i32
      %dma_wait3A_934 = arith.constant 0 : i32
      %dma_wait3A_935 = arith.constant 0 : i32
      %dma_wait3A_936 = tpu.memref_slice %arg12[%dma_wait3A_933, %dma_wait3A_934, %dma_wait3A_935] : memref<13x64x128xf32, #tpu.memory_space<vmem>> -> memref<1x64x128xf32, #tpu.memory_space<vmem>>
      %dma_wait3A_937 = tpu.memref_squeeze %dma_wait3A_936 : memref<1x64x128xf32, #tpu.memory_space<vmem>> -> memref<64x128xf32, #tpu.memory_space<vmem>>
      %dma_wait3A_938 = arith.constant 0 : i32
      %dma_wait3A_939 = tpu.memref_slice %arg5[%dma_wait3A_938, %multiple_of3A_211] : memref<64x1000000xf32, #tpu.memory_space<hbm>> -> memref<64x128xf32, #tpu.memory_space<hbm>>
      %dma_wait3A_940 = arith.constant 0 : i32
      %dma_wait3A_941 = arith.constant 0 : i32
      %dma_wait3A_942 = tpu.memref_slice %arg12[%dma_wait3A_933, %dma_wait3A_940, %dma_wait3A_941] : memref<13x64x128xf32, #tpu.memory_space<vmem>> -> memref<1x64x128xf32, #tpu.memory_space<vmem>>
      %dma_wait3A_943 = tpu.memref_squeeze %dma_wait3A_942 : memref<1x64x128xf32, #tpu.memory_space<vmem>> -> memref<64x128xf32, #tpu.memory_space<vmem>>
      %dma_wait3A_944 = arith.constant 0 : i32
      %dma_wait3A_945 = tpu.memref_slice %arg5[%dma_wait3A_944, %multiple_of3A_211] : memref<64x1000000xf32, #tpu.memory_space<hbm>> -> memref<64x128xf32, #tpu.memory_space<hbm>>
      tpu.wait_dma2 semaphore(%arg19 : memref<!tpu.dma_semaphore, #tpu.memory_space<semaphore_mem>>) src(%dma_wait3A_945 : memref<64x128xf32, #tpu.memory_space<hbm>>) dst(%dma_wait3A_943 : memref<64x128xf32, #tpu.memory_space<vmem>>)
      %slice3A_946 = vector.extract_strided_slice %get3A_4 {offsets = [11], sizes = [1], strides = [1]} : vector<16xi32> to vector<1xi32>
      %squeeze3A_947 = vector.extract %slice3A_946[0] : i32 from vector<1xi32>
      %slice3A_948 = vector.extract_strided_slice %get3A_6 {offsets = [11], sizes = [1], strides = [1]} : vector<16xf32> to vector<1xf32>
      %squeeze3A_949 = vector.extract %slice3A_948[0] : f32 from vector<1xf32>
      %broadcast_in_dim3A_950 = vector.broadcast %squeeze3A_949 : f32 to vector<16xf32>
      %broadcast_in_dim3A_951 = vector.broadcast %squeeze3A_947 : i32 to vector<16xi32>
      %add3A_952 = arith.constant 0 : i32
      %add3A_953 = vector.broadcast %add3A_952 : i32 to vector<16xi32>
      %add3A_954 = arith.addi %add3A_953, %iota3A : vector<16xi32>
      %gather3A_955 = arith.constant 11 : i32
      %gather3A_956 = arith.constant 0 : i32
      %gather3A_957 = arith.constant 0 : i32
      %gather3A_958 = tpu.memref_slice %arg12[%gather3A_955, %gather3A_956, %gather3A_957] : memref<13x64x128xf32, #tpu.memory_space<vmem>> -> memref<1x64x128xf32, #tpu.memory_space<vmem>>
      %gather3A_959 = tpu.memref_squeeze %gather3A_958 : memref<1x64x128xf32, #tpu.memory_space<vmem>> -> memref<64x128xf32, #tpu.memory_space<vmem>>
      %gather3A_960 = tpu.vector_load_idx %gather3A_959[%add3A_954, %broadcast_in_dim3A_951] : memref<64x128xf32, #tpu.memory_space<vmem>>[vector<16xi32>, vector<16xi32>], vector<16xf32>,
      %mul3A_961 = arith.mulf %broadcast_in_dim3A_950, %gather3A_960 : vector<16xf32>
      %add3A_962 = arith.addf %add3A_899, %mul3A_961 : vector<16xf32>
      %add3A_963 = arith.constant 16 : i32
      %add3A_964 = vector.broadcast %add3A_963 : i32 to vector<16xi32>
      %add3A_965 = arith.addi %add3A_964, %iota3A : vector<16xi32>
      %gather3A_966 = arith.constant 11 : i32
      %gather3A_967 = arith.constant 0 : i32
      %gather3A_968 = arith.constant 0 : i32
      %gather3A_969 = tpu.memref_slice %arg12[%gather3A_966, %gather3A_967, %gather3A_968] : memref<13x64x128xf32, #tpu.memory_space<vmem>> -> memref<1x64x128xf32, #tpu.memory_space<vmem>>
      %gather3A_970 = tpu.memref_squeeze %gather3A_969 : memref<1x64x128xf32, #tpu.memory_space<vmem>> -> memref<64x128xf32, #tpu.memory_space<vmem>>
      %gather3A_971 = tpu.vector_load_idx %gather3A_970[%add3A_965, %broadcast_in_dim3A_951] : memref<64x128xf32, #tpu.memory_space<vmem>>[vector<16xi32>, vector<16xi32>], vector<16xf32>,
      %mul3A_972 = arith.mulf %broadcast_in_dim3A_950, %gather3A_971 : vector<16xf32>
      %add3A_973 = arith.addf %add3A_910, %mul3A_972 : vector<16xf32>
      %add3A_974 = arith.constant 32 : i32
      %add3A_975 = vector.broadcast %add3A_974 : i32 to vector<16xi32>
      %add3A_976 = arith.addi %add3A_975, %iota3A : vector<16xi32>
      %gather3A_977 = arith.constant 11 : i32
      %gather3A_978 = arith.constant 0 : i32
      %gather3A_979 = arith.constant 0 : i32
      %gather3A_980 = tpu.memref_slice %arg12[%gather3A_977, %gather3A_978, %gather3A_979] : memref<13x64x128xf32, #tpu.memory_space<vmem>> -> memref<1x64x128xf32, #tpu.memory_space<vmem>>
      %gather3A_981 = tpu.memref_squeeze %gather3A_980 : memref<1x64x128xf32, #tpu.memory_space<vmem>> -> memref<64x128xf32, #tpu.memory_space<vmem>>
      %gather3A_982 = tpu.vector_load_idx %gather3A_981[%add3A_976, %broadcast_in_dim3A_951] : memref<64x128xf32, #tpu.memory_space<vmem>>[vector<16xi32>, vector<16xi32>], vector<16xf32>,
      %mul3A_983 = arith.mulf %broadcast_in_dim3A_950, %gather3A_982 : vector<16xf32>
      %add3A_984 = arith.addf %add3A_921, %mul3A_983 : vector<16xf32>
      %add3A_985 = arith.constant 48 : i32
      %add3A_986 = vector.broadcast %add3A_985 : i32 to vector<16xi32>
      %add3A_987 = arith.addi %add3A_986, %iota3A : vector<16xi32>
      %gather3A_988 = arith.constant 11 : i32
      %gather3A_989 = arith.constant 0 : i32
      %gather3A_990 = arith.constant 0 : i32
      %gather3A_991 = tpu.memref_slice %arg12[%gather3A_988, %gather3A_989, %gather3A_990] : memref<13x64x128xf32, #tpu.memory_space<vmem>> -> memref<1x64x128xf32, #tpu.memory_space<vmem>>
      %gather3A_992 = tpu.memref_squeeze %gather3A_991 : memref<1x64x128xf32, #tpu.memory_space<vmem>> -> memref<64x128xf32, #tpu.memory_space<vmem>>
      %gather3A_993 = tpu.vector_load_idx %gather3A_992[%add3A_987, %broadcast_in_dim3A_951] : memref<64x128xf32, #tpu.memory_space<vmem>>[vector<16xi32>, vector<16xi32>], vector<16xf32>,
      %mul3A_994 = arith.mulf %broadcast_in_dim3A_950, %gather3A_993 : vector<16xf32>
      %add3A_995 = arith.addf %add3A_932, %mul3A_994 : vector<16xf32>
      %dma_wait3A_996 = arith.constant 12 : i32
      %dma_wait3A_997 = arith.constant 0 : i32
      %dma_wait3A_998 = arith.constant 0 : i32
      %dma_wait3A_999 = tpu.memref_slice %arg12[%dma_wait3A_996, %dma_wait3A_997, %dma_wait3A_998] : memref<13x64x128xf32, #tpu.memory_space<vmem>> -> memref<1x64x128xf32, #tpu.memory_space<vmem>>
      %dma_wait3A_1000 = tpu.memref_squeeze %dma_wait3A_999 : memref<1x64x128xf32, #tpu.memory_space<vmem>> -> memref<64x128xf32, #tpu.memory_space<vmem>>
      %dma_wait3A_1001 = arith.constant 0 : i32
      %dma_wait3A_1002 = tpu.memref_slice %arg5[%dma_wait3A_1001, %multiple_of3A_229] : memref<64x1000000xf32, #tpu.memory_space<hbm>> -> memref<64x128xf32, #tpu.memory_space<hbm>>
      %dma_wait3A_1003 = arith.constant 0 : i32
      %dma_wait3A_1004 = arith.constant 0 : i32
      %dma_wait3A_1005 = tpu.memref_slice %arg12[%dma_wait3A_996, %dma_wait3A_1003, %dma_wait3A_1004] : memref<13x64x128xf32, #tpu.memory_space<vmem>> -> memref<1x64x128xf32, #tpu.memory_space<vmem>>
      %dma_wait3A_1006 = tpu.memref_squeeze %dma_wait3A_1005 : memref<1x64x128xf32, #tpu.memory_space<vmem>> -> memref<64x128xf32, #tpu.memory_space<vmem>>
      %dma_wait3A_1007 = arith.constant 0 : i32
      %dma_wait3A_1008 = tpu.memref_slice %arg5[%dma_wait3A_1007, %multiple_of3A_229] : memref<64x1000000xf32, #tpu.memory_space<hbm>> -> memref<64x128xf32, #tpu.memory_space<hbm>>
      tpu.wait_dma2 semaphore(%arg19 : memref<!tpu.dma_semaphore, #tpu.memory_space<semaphore_mem>>) src(%dma_wait3A_1008 : memref<64x128xf32, #tpu.memory_space<hbm>>) dst(%dma_wait3A_1006 : memref<64x128xf32, #tpu.memory_space<vmem>>)
      %slice3A_1009 = vector.extract_strided_slice %get3A_4 {offsets = [12], sizes = [1], strides = [1]} : vector<16xi32> to vector<1xi32>
      %squeeze3A_1010 = vector.extract %slice3A_1009[0] : i32 from vector<1xi32>
      %slice3A_1011 = vector.extract_strided_slice %get3A_6 {offsets = [12], sizes = [1], strides = [1]} : vector<16xf32> to vector<1xf32>
      %squeeze3A_1012 = vector.extract %slice3A_1011[0] : f32 from vector<1xf32>
      %broadcast_in_dim3A_1013 = vector.broadcast %squeeze3A_1012 : f32 to vector<16xf32>
      %broadcast_in_dim3A_1014 = vector.broadcast %squeeze3A_1010 : i32 to vector<16xi32>
      %add3A_1015 = arith.constant 0 : i32
      %add3A_1016 = vector.broadcast %add3A_1015 : i32 to vector<16xi32>
      %add3A_1017 = arith.addi %add3A_1016, %iota3A : vector<16xi32>
      %gather3A_1018 = arith.constant 12 : i32
      %gather3A_1019 = arith.constant 0 : i32
      %gather3A_1020 = arith.constant 0 : i32
      %gather3A_1021 = tpu.memref_slice %arg12[%gather3A_1018, %gather3A_1019, %gather3A_1020] : memref<13x64x128xf32, #tpu.memory_space<vmem>> -> memref<1x64x128xf32, #tpu.memory_space<vmem>>
      %gather3A_1022 = tpu.memref_squeeze %gather3A_1021 : memref<1x64x128xf32, #tpu.memory_space<vmem>> -> memref<64x128xf32, #tpu.memory_space<vmem>>
      %gather3A_1023 = tpu.vector_load_idx %gather3A_1022[%add3A_1017, %broadcast_in_dim3A_1014] : memref<64x128xf32, #tpu.memory_space<vmem>>[vector<16xi32>, vector<16xi32>], vector<16xf32>,
      %mul3A_1024 = arith.mulf %broadcast_in_dim3A_1013, %gather3A_1023 : vector<16xf32>
      %add3A_1025 = arith.addf %add3A_962, %mul3A_1024 : vector<16xf32>
      %add3A_1026 = arith.constant 16 : i32
      %add3A_1027 = vector.broadcast %add3A_1026 : i32 to vector<16xi32>
      %add3A_1028 = arith.addi %add3A_1027, %iota3A : vector<16xi32>
      %gather3A_1029 = arith.constant 12 : i32
      %gather3A_1030 = arith.constant 0 : i32
      %gather3A_1031 = arith.constant 0 : i32
      %gather3A_1032 = tpu.memref_slice %arg12[%gather3A_1029, %gather3A_1030, %gather3A_1031] : memref<13x64x128xf32, #tpu.memory_space<vmem>> -> memref<1x64x128xf32, #tpu.memory_space<vmem>>
      %gather3A_1033 = tpu.memref_squeeze %gather3A_1032 : memref<1x64x128xf32, #tpu.memory_space<vmem>> -> memref<64x128xf32, #tpu.memory_space<vmem>>
      %gather3A_1034 = tpu.vector_load_idx %gather3A_1033[%add3A_1028, %broadcast_in_dim3A_1014] : memref<64x128xf32, #tpu.memory_space<vmem>>[vector<16xi32>, vector<16xi32>], vector<16xf32>,
      %mul3A_1035 = arith.mulf %broadcast_in_dim3A_1013, %gather3A_1034 : vector<16xf32>
      %add3A_1036 = arith.addf %add3A_973, %mul3A_1035 : vector<16xf32>
      %add3A_1037 = arith.constant 32 : i32
      %add3A_1038 = vector.broadcast %add3A_1037 : i32 to vector<16xi32>
      %add3A_1039 = arith.addi %add3A_1038, %iota3A : vector<16xi32>
      %gather3A_1040 = arith.constant 12 : i32
      %gather3A_1041 = arith.constant 0 : i32
      %gather3A_1042 = arith.constant 0 : i32
      %gather3A_1043 = tpu.memref_slice %arg12[%gather3A_1040, %gather3A_1041, %gather3A_1042] : memref<13x64x128xf32, #tpu.memory_space<vmem>> -> memref<1x64x128xf32, #tpu.memory_space<vmem>>
      %gather3A_1044 = tpu.memref_squeeze %gather3A_1043 : memref<1x64x128xf32, #tpu.memory_space<vmem>> -> memref<64x128xf32, #tpu.memory_space<vmem>>
      %gather3A_1045 = tpu.vector_load_idx %gather3A_1044[%add3A_1039, %broadcast_in_dim3A_1014] : memref<64x128xf32, #tpu.memory_space<vmem>>[vector<16xi32>, vector<16xi32>], vector<16xf32>,
      %mul3A_1046 = arith.mulf %broadcast_in_dim3A_1013, %gather3A_1045 : vector<16xf32>
      %add3A_1047 = arith.addf %add3A_984, %mul3A_1046 : vector<16xf32>
      %add3A_1048 = arith.constant 48 : i32
      %add3A_1049 = vector.broadcast %add3A_1048 : i32 to vector<16xi32>
      %add3A_1050 = arith.addi %add3A_1049, %iota3A : vector<16xi32>
      %gather3A_1051 = arith.constant 12 : i32
      %gather3A_1052 = arith.constant 0 : i32
      %gather3A_1053 = arith.constant 0 : i32
      %gather3A_1054 = tpu.memref_slice %arg12[%gather3A_1051, %gather3A_1052, %gather3A_1053] : memref<13x64x128xf32, #tpu.memory_space<vmem>> -> memref<1x64x128xf32, #tpu.memory_space<vmem>>
      %gather3A_1055 = tpu.memref_squeeze %gather3A_1054 : memref<1x64x128xf32, #tpu.memory_space<vmem>> -> memref<64x128xf32, #tpu.memory_space<vmem>>
      %gather3A_1056 = tpu.vector_load_idx %gather3A_1055[%add3A_1050, %broadcast_in_dim3A_1014] : memref<64x128xf32, #tpu.memory_space<vmem>>[vector<16xi32>, vector<16xi32>], vector<16xf32>,
      %mul3A_1057 = arith.mulf %broadcast_in_dim3A_1013, %gather3A_1056 : vector<16xf32>
      %add3A_1058 = arith.addf %add3A_995, %mul3A_1057 : vector<16xf32>
      %swap3A = arith.constant 0 : index
      %swap3A_1059 = tpu.vector_load %arg13[%swap3A] {strides = array<i32>} : memref<64xf32, #tpu.memory_space<vmem>>, vector<16xf32>,
      tpu.vector_store %arg13[%swap3A], %add3A_1025 {strides = array<i32>} : memref<64xf32, #tpu.memory_space<vmem>>, vector<16xf32>,
      %swap3A_1060 = arith.constant 16 : index
      %swap3A_1061 = tpu.vector_load %arg13[%swap3A_1060] {strides = array<i32>} : memref<64xf32, #tpu.memory_space<vmem>>, vector<16xf32>,
      tpu.vector_store %arg13[%swap3A_1060], %add3A_1036 {strides = array<i32>} : memref<64xf32, #tpu.memory_space<vmem>>, vector<16xf32>,
      %swap3A_1062 = arith.constant 32 : index
      %swap3A_1063 = tpu.vector_load %arg13[%swap3A_1062] {strides = array<i32>} : memref<64xf32, #tpu.memory_space<vmem>>, vector<16xf32>,
      tpu.vector_store %arg13[%swap3A_1062], %add3A_1047 {strides = array<i32>} : memref<64xf32, #tpu.memory_space<vmem>>, vector<16xf32>,
      %swap3A_1064 = arith.constant 48 : index
      %swap3A_1065 = tpu.vector_load %arg13[%swap3A_1064] {strides = array<i32>} : memref<64xf32, #tpu.memory_space<vmem>>, vector<16xf32>,
      tpu.vector_store %arg13[%swap3A_1064], %add3A_1058 {strides = array<i32>} : memref<64xf32, #tpu.memory_space<vmem>>, vector<16xf32>,
      "tpu.region"() ({
        %run_scoped3A = tpu.sem_alloc : memref<!tpu.dma_semaphore, #tpu.memory_space<semaphore_mem>>
        %dma_start3A_1071 = arith.constant 0 : i32
        %dma_start3A_1072 = tpu.memref_slice %arg14[%arg1, %dma_start3A_1071] : memref<16x64xf32, #tpu.memory_space<vmem_shared>> -> memref<1x64xf32, #tpu.memory_space<vmem_shared>>
        %dma_start3A_1073 = tpu.memref_squeeze %dma_start3A_1072 : memref<1x64xf32, #tpu.memory_space<vmem_shared>> -> memref<64xf32, #tpu.memory_space<vmem_shared>>
        %dma_start3A_1074 = arith.constant 0 : i32
        %dma_start3A_1075 = tpu.memref_slice %arg14[%arg1, %dma_start3A_1074] : memref<16x64xf32, #tpu.memory_space<vmem_shared>> -> memref<1x64xf32, #tpu.memory_space<vmem_shared>>
        %dma_start3A_1076 = tpu.memref_squeeze %dma_start3A_1075 : memref<1x64xf32, #tpu.memory_space<vmem_shared>> -> memref<64xf32, #tpu.memory_space<vmem_shared>>
        tpu.enqueue_dma source(%arg13 : memref<64xf32, #tpu.memory_space<vmem>>) target(%dma_start3A_1076 : memref<64xf32, #tpu.memory_space<vmem_shared>>) target_semaphore(%run_scoped3A : memref<!tpu.dma_semaphore, #tpu.memory_space<semaphore_mem>>)
        %dma_wait3A_1077 = arith.constant 0 : i32
        %dma_wait3A_1078 = tpu.memref_slice %arg14[%arg1, %dma_wait3A_1077] : memref<16x64xf32, #tpu.memory_space<vmem_shared>> -> memref<1x64xf32, #tpu.memory_space<vmem_shared>>
        %dma_wait3A_1079 = tpu.memref_squeeze %dma_wait3A_1078 : memref<1x64xf32, #tpu.memory_space<vmem_shared>> -> memref<64xf32, #tpu.memory_space<vmem_shared>>
        %dma_wait3A_1080 = arith.constant 0 : i32
        %dma_wait3A_1081 = tpu.memref_slice %arg14[%arg1, %dma_wait3A_1080] : memref<16x64xf32, #tpu.memory_space<vmem_shared>> -> memref<1x64xf32, #tpu.memory_space<vmem_shared>>
        %dma_wait3A_1082 = tpu.memref_squeeze %dma_wait3A_1081 : memref<1x64xf32, #tpu.memory_space<vmem_shared>> -> memref<64xf32, #tpu.memory_space<vmem_shared>>
        tpu.wait_dma2 semaphore(%run_scoped3A : memref<!tpu.dma_semaphore, #tpu.memory_space<semaphore_mem>>) src(%arg13 : memref<64xf32, #tpu.memory_space<vmem>>) dst(%dma_wait3A_1082 : memref<64xf32, #tpu.memory_space<vmem_shared>>)
        tpu.yield
      }) : () -> ()
      %barrier3A = arith.constant 0 : index
      tpu.barrier barrier_id(%barrier3A)
      %eq3A_1066 = arith.constant 0 : i32
      %eq3A_1067 = arith.cmpi eq, %arg1, %eq3A_1066 : i32
      %convert_element_type3A_1068 = arith.extui %eq3A_1067 : i1 to i32
      %cond3A_1069 = arith.constant 0 : i32
      %cond3A_1070 = arith.cmpi ne, %convert_element_type3A_1068, %cond3A_1069 : i32
      scf.if %cond3A_1070 {
        "tpu.region"() ({
          %run_scoped3A = tpu.sem_alloc : memref<!tpu.dma_semaphore, #tpu.memory_space<semaphore_mem>>
          tpu.enqueue_dma source(%arg6 : memref<2x64xf32, #tpu.memory_space<hbm>>) target(%arg16 : memref<2x64xf32, #tpu.memory_space<vmem>>) target_semaphore(%run_scoped3A : memref<!tpu.dma_semaphore, #tpu.memory_space<semaphore_mem>>)
          tpu.wait_dma2 semaphore(%run_scoped3A : memref<!tpu.dma_semaphore, #tpu.memory_space<semaphore_mem>>) src(%arg6 : memref<2x64xf32, #tpu.memory_space<hbm>>) dst(%arg16 : memref<2x64xf32, #tpu.memory_space<vmem>>)
          tpu.yield
        }) : () -> ()
        "tpu.region"() ({
          %run_scoped3A = tpu.sem_alloc : memref<!tpu.dma_semaphore, #tpu.memory_space<semaphore_mem>>
          tpu.enqueue_dma source(%arg7 : memref<16xf32, #tpu.memory_space<hbm>>) target(%arg17 : memref<16xf32, #tpu.memory_space<vmem>>) target_semaphore(%run_scoped3A : memref<!tpu.dma_semaphore, #tpu.memory_space<semaphore_mem>>)
          tpu.wait_dma2 semaphore(%run_scoped3A : memref<!tpu.dma_semaphore, #tpu.memory_space<semaphore_mem>>) src(%arg7 : memref<16xf32, #tpu.memory_space<hbm>>) dst(%arg17 : memref<16xf32, #tpu.memory_space<vmem>>)
          tpu.yield
        }) : () -> ()
        "tpu.region"() ({
          %run_scoped3A = tpu.sem_alloc : memref<!tpu.dma_semaphore, #tpu.memory_space<semaphore_mem>>
          tpu.enqueue_dma source(%arg14 : memref<16x64xf32, #tpu.memory_space<vmem_shared>>) target(%arg15 : memref<16x64xf32, #tpu.memory_space<vmem>>) target_semaphore(%run_scoped3A : memref<!tpu.dma_semaphore, #tpu.memory_space<semaphore_mem>>)
          tpu.wait_dma2 semaphore(%run_scoped3A : memref<!tpu.dma_semaphore, #tpu.memory_space<semaphore_mem>>) src(%arg14 : memref<16x64xf32, #tpu.memory_space<vmem_shared>>) dst(%arg15 : memref<16x64xf32, #tpu.memory_space<vmem>>)
          tpu.yield
        }) : () -> ()
        %broadcast_in_dim3A_1071 = arith.constant 0.000000e+00 : f32
        %broadcast_in_dim3A_1072 = vector.broadcast %broadcast_in_dim3A_1071 : f32 to vector<16xf32>
        %broadcast_in_dim3A_1073 = arith.constant 0.000000e+00 : f32
        %broadcast_in_dim3A_1074 = vector.broadcast %broadcast_in_dim3A_1073 : f32 to vector<16xf32>
        %broadcast_in_dim3A_1075 = arith.constant 0.000000e+00 : f32
        %broadcast_in_dim3A_1076 = vector.broadcast %broadcast_in_dim3A_1075 : f32 to vector<16xf32>
        %broadcast_in_dim3A_1077 = arith.constant 0.000000e+00 : f32
        %broadcast_in_dim3A_1078 = vector.broadcast %broadcast_in_dim3A_1077 : f32 to vector<16xf32>
        %get3A_1079 = arith.constant 0 : i32
        %get3A_1080 = arith.index_cast %get3A_1079 : i32 to index
        %get3A_1081 = arith.constant 0 : index
        %get3A_1082 = tpu.vector_load %arg15[%get3A_1080, %get3A_1081] {strides = array<i32>} : memref<16x64xf32, #tpu.memory_space<vmem>>, vector<16xf32>,
        %add3A_1083 = arith.addf %broadcast_in_dim3A_1072, %get3A_1082 : vector<16xf32>
        %get3A_1084 = arith.constant 0 : i32
        %get3A_1085 = arith.index_cast %get3A_1084 : i32 to index
        %get3A_1086 = arith.constant 16 : index
        %get3A_1087 = tpu.vector_load %arg15[%get3A_1085, %get3A_1086] {strides = array<i32>} : memref<16x64xf32, #tpu.memory_space<vmem>>, vector<16xf32>,
        %add3A_1088 = arith.addf %broadcast_in_dim3A_1074, %get3A_1087 : vector<16xf32>
        %get3A_1089 = arith.constant 0 : i32
        %get3A_1090 = arith.index_cast %get3A_1089 : i32 to index
        %get3A_1091 = arith.constant 32 : index
        %get3A_1092 = tpu.vector_load %arg15[%get3A_1090, %get3A_1091] {strides = array<i32>} : memref<16x64xf32, #tpu.memory_space<vmem>>, vector<16xf32>,
        %add3A_1093 = arith.addf %broadcast_in_dim3A_1076, %get3A_1092 : vector<16xf32>
        %get3A_1094 = arith.constant 0 : i32
        %get3A_1095 = arith.index_cast %get3A_1094 : i32 to index
        %get3A_1096 = arith.constant 48 : index
        %get3A_1097 = tpu.vector_load %arg15[%get3A_1095, %get3A_1096] {strides = array<i32>} : memref<16x64xf32, #tpu.memory_space<vmem>>, vector<16xf32>,
        %add3A_1098 = arith.addf %broadcast_in_dim3A_1078, %get3A_1097 : vector<16xf32>
        %get3A_1099 = arith.constant 1 : i32
        %get3A_1100 = arith.index_cast %get3A_1099 : i32 to index
        %get3A_1101 = arith.constant 0 : index
        %get3A_1102 = tpu.vector_load %arg15[%get3A_1100, %get3A_1101] {strides = array<i32>} : memref<16x64xf32, #tpu.memory_space<vmem>>, vector<16xf32>,
        %add3A_1103 = arith.addf %add3A_1083, %get3A_1102 : vector<16xf32>
        %get3A_1104 = arith.constant 1 : i32
        %get3A_1105 = arith.index_cast %get3A_1104 : i32 to index
        %get3A_1106 = arith.constant 16 : index
        %get3A_1107 = tpu.vector_load %arg15[%get3A_1105, %get3A_1106] {strides = array<i32>} : memref<16x64xf32, #tpu.memory_space<vmem>>, vector<16xf32>,
        %add3A_1108 = arith.addf %add3A_1088, %get3A_1107 : vector<16xf32>
        %get3A_1109 = arith.constant 1 : i32
        %get3A_1110 = arith.index_cast %get3A_1109 : i32 to index
        %get3A_1111 = arith.constant 32 : index
        %get3A_1112 = tpu.vector_load %arg15[%get3A_1110, %get3A_1111] {strides = array<i32>} : memref<16x64xf32, #tpu.memory_space<vmem>>, vector<16xf32>,
        %add3A_1113 = arith.addf %add3A_1093, %get3A_1112 : vector<16xf32>
        %get3A_1114 = arith.constant 1 : i32
        %get3A_1115 = arith.index_cast %get3A_1114 : i32 to index
        %get3A_1116 = arith.constant 48 : index
        %get3A_1117 = tpu.vector_load %arg15[%get3A_1115, %get3A_1116] {strides = array<i32>} : memref<16x64xf32, #tpu.memory_space<vmem>>, vector<16xf32>,
        %add3A_1118 = arith.addf %add3A_1098, %get3A_1117 : vector<16xf32>
        %get3A_1119 = arith.constant 2 : i32
        %get3A_1120 = arith.index_cast %get3A_1119 : i32 to index
        %get3A_1121 = arith.constant 0 : index
        %get3A_1122 = tpu.vector_load %arg15[%get3A_1120, %get3A_1121] {strides = array<i32>} : memref<16x64xf32, #tpu.memory_space<vmem>>, vector<16xf32>,
        %add3A_1123 = arith.addf %add3A_1103, %get3A_1122 : vector<16xf32>
        %get3A_1124 = arith.constant 2 : i32
        %get3A_1125 = arith.index_cast %get3A_1124 : i32 to index
        %get3A_1126 = arith.constant 16 : index
        %get3A_1127 = tpu.vector_load %arg15[%get3A_1125, %get3A_1126] {strides = array<i32>} : memref<16x64xf32, #tpu.memory_space<vmem>>, vector<16xf32>,
        %add3A_1128 = arith.addf %add3A_1108, %get3A_1127 : vector<16xf32>
        %get3A_1129 = arith.constant 2 : i32
        %get3A_1130 = arith.index_cast %get3A_1129 : i32 to index
        %get3A_1131 = arith.constant 32 : index
        %get3A_1132 = tpu.vector_load %arg15[%get3A_1130, %get3A_1131] {strides = array<i32>} : memref<16x64xf32, #tpu.memory_space<vmem>>, vector<16xf32>,
        %add3A_1133 = arith.addf %add3A_1113, %get3A_1132 : vector<16xf32>
        %get3A_1134 = arith.constant 2 : i32
        %get3A_1135 = arith.index_cast %get3A_1134 : i32 to index
        %get3A_1136 = arith.constant 48 : index
        %get3A_1137 = tpu.vector_load %arg15[%get3A_1135, %get3A_1136] {strides = array<i32>} : memref<16x64xf32, #tpu.memory_space<vmem>>, vector<16xf32>,
        %add3A_1138 = arith.addf %add3A_1118, %get3A_1137 : vector<16xf32>
        %get3A_1139 = arith.constant 3 : i32
        %get3A_1140 = arith.index_cast %get3A_1139 : i32 to index
        %get3A_1141 = arith.constant 0 : index
        %get3A_1142 = tpu.vector_load %arg15[%get3A_1140, %get3A_1141] {strides = array<i32>} : memref<16x64xf32, #tpu.memory_space<vmem>>, vector<16xf32>,
        %add3A_1143 = arith.addf %add3A_1123, %get3A_1142 : vector<16xf32>
        %get3A_1144 = arith.constant 3 : i32
        %get3A_1145 = arith.index_cast %get3A_1144 : i32 to index
        %get3A_1146 = arith.constant 16 : index
        %get3A_1147 = tpu.vector_load %arg15[%get3A_1145, %get3A_1146] {strides = array<i32>} : memref<16x64xf32, #tpu.memory_space<vmem>>, vector<16xf32>,
        %add3A_1148 = arith.addf %add3A_1128, %get3A_1147 : vector<16xf32>
        %get3A_1149 = arith.constant 3 : i32
        %get3A_1150 = arith.index_cast %get3A_1149 : i32 to index
        %get3A_1151 = arith.constant 32 : index
        %get3A_1152 = tpu.vector_load %arg15[%get3A_1150, %get3A_1151] {strides = array<i32>} : memref<16x64xf32, #tpu.memory_space<vmem>>, vector<16xf32>,
        %add3A_1153 = arith.addf %add3A_1133, %get3A_1152 : vector<16xf32>
        %get3A_1154 = arith.constant 3 : i32
        %get3A_1155 = arith.index_cast %get3A_1154 : i32 to index
        %get3A_1156 = arith.constant 48 : index
        %get3A_1157 = tpu.vector_load %arg15[%get3A_1155, %get3A_1156] {strides = array<i32>} : memref<16x64xf32, #tpu.memory_space<vmem>>, vector<16xf32>,
        %add3A_1158 = arith.addf %add3A_1138, %get3A_1157 : vector<16xf32>
        %get3A_1159 = arith.constant 4 : i32
        %get3A_1160 = arith.index_cast %get3A_1159 : i32 to index
        %get3A_1161 = arith.constant 0 : index
        %get3A_1162 = tpu.vector_load %arg15[%get3A_1160, %get3A_1161] {strides = array<i32>} : memref<16x64xf32, #tpu.memory_space<vmem>>, vector<16xf32>,
        %add3A_1163 = arith.addf %add3A_1143, %get3A_1162 : vector<16xf32>
        %get3A_1164 = arith.constant 4 : i32
        %get3A_1165 = arith.index_cast %get3A_1164 : i32 to index
        %get3A_1166 = arith.constant 16 : index
        %get3A_1167 = tpu.vector_load %arg15[%get3A_1165, %get3A_1166] {strides = array<i32>} : memref<16x64xf32, #tpu.memory_space<vmem>>, vector<16xf32>,
        %add3A_1168 = arith.addf %add3A_1148, %get3A_1167 : vector<16xf32>
        %get3A_1169 = arith.constant 4 : i32
        %get3A_1170 = arith.index_cast %get3A_1169 : i32 to index
        %get3A_1171 = arith.constant 32 : index
        %get3A_1172 = tpu.vector_load %arg15[%get3A_1170, %get3A_1171] {strides = array<i32>} : memref<16x64xf32, #tpu.memory_space<vmem>>, vector<16xf32>,
        %add3A_1173 = arith.addf %add3A_1153, %get3A_1172 : vector<16xf32>
        %get3A_1174 = arith.constant 4 : i32
        %get3A_1175 = arith.index_cast %get3A_1174 : i32 to index
        %get3A_1176 = arith.constant 48 : index
        %get3A_1177 = tpu.vector_load %arg15[%get3A_1175, %get3A_1176] {strides = array<i32>} : memref<16x64xf32, #tpu.memory_space<vmem>>, vector<16xf32>,
        %add3A_1178 = arith.addf %add3A_1158, %get3A_1177 : vector<16xf32>
        %get3A_1179 = arith.constant 5 : i32
        %get3A_1180 = arith.index_cast %get3A_1179 : i32 to index
        %get3A_1181 = arith.constant 0 : index
        %get3A_1182 = tpu.vector_load %arg15[%get3A_1180, %get3A_1181] {strides = array<i32>} : memref<16x64xf32, #tpu.memory_space<vmem>>, vector<16xf32>,
        %add3A_1183 = arith.addf %add3A_1163, %get3A_1182 : vector<16xf32>
        %get3A_1184 = arith.constant 5 : i32
        %get3A_1185 = arith.index_cast %get3A_1184 : i32 to index
        %get3A_1186 = arith.constant 16 : index
        %get3A_1187 = tpu.vector_load %arg15[%get3A_1185, %get3A_1186] {strides = array<i32>} : memref<16x64xf32, #tpu.memory_space<vmem>>, vector<16xf32>,
        %add3A_1188 = arith.addf %add3A_1168, %get3A_1187 : vector<16xf32>
        %get3A_1189 = arith.constant 5 : i32
        %get3A_1190 = arith.index_cast %get3A_1189 : i32 to index
        %get3A_1191 = arith.constant 32 : index
        %get3A_1192 = tpu.vector_load %arg15[%get3A_1190, %get3A_1191] {strides = array<i32>} : memref<16x64xf32, #tpu.memory_space<vmem>>, vector<16xf32>,
        %add3A_1193 = arith.addf %add3A_1173, %get3A_1192 : vector<16xf32>
        %get3A_1194 = arith.constant 5 : i32
        %get3A_1195 = arith.index_cast %get3A_1194 : i32 to index
        %get3A_1196 = arith.constant 48 : index
        %get3A_1197 = tpu.vector_load %arg15[%get3A_1195, %get3A_1196] {strides = array<i32>} : memref<16x64xf32, #tpu.memory_space<vmem>>, vector<16xf32>,
        %add3A_1198 = arith.addf %add3A_1178, %get3A_1197 : vector<16xf32>
        %get3A_1199 = arith.constant 6 : i32
        %get3A_1200 = arith.index_cast %get3A_1199 : i32 to index
        %get3A_1201 = arith.constant 0 : index
        %get3A_1202 = tpu.vector_load %arg15[%get3A_1200, %get3A_1201] {strides = array<i32>} : memref<16x64xf32, #tpu.memory_space<vmem>>, vector<16xf32>,
        %add3A_1203 = arith.addf %add3A_1183, %get3A_1202 : vector<16xf32>
        %get3A_1204 = arith.constant 6 : i32
        %get3A_1205 = arith.index_cast %get3A_1204 : i32 to index
        %get3A_1206 = arith.constant 16 : index
        %get3A_1207 = tpu.vector_load %arg15[%get3A_1205, %get3A_1206] {strides = array<i32>} : memref<16x64xf32, #tpu.memory_space<vmem>>, vector<16xf32>,
        %add3A_1208 = arith.addf %add3A_1188, %get3A_1207 : vector<16xf32>
        %get3A_1209 = arith.constant 6 : i32
        %get3A_1210 = arith.index_cast %get3A_1209 : i32 to index
        %get3A_1211 = arith.constant 32 : index
        %get3A_1212 = tpu.vector_load %arg15[%get3A_1210, %get3A_1211] {strides = array<i32>} : memref<16x64xf32, #tpu.memory_space<vmem>>, vector<16xf32>,
        %add3A_1213 = arith.addf %add3A_1193, %get3A_1212 : vector<16xf32>
        %get3A_1214 = arith.constant 6 : i32
        %get3A_1215 = arith.index_cast %get3A_1214 : i32 to index
        %get3A_1216 = arith.constant 48 : index
        %get3A_1217 = tpu.vector_load %arg15[%get3A_1215, %get3A_1216] {strides = array<i32>} : memref<16x64xf32, #tpu.memory_space<vmem>>, vector<16xf32>,
        %add3A_1218 = arith.addf %add3A_1198, %get3A_1217 : vector<16xf32>
        %get3A_1219 = arith.constant 7 : i32
        %get3A_1220 = arith.index_cast %get3A_1219 : i32 to index
        %get3A_1221 = arith.constant 0 : index
        %get3A_1222 = tpu.vector_load %arg15[%get3A_1220, %get3A_1221] {strides = array<i32>} : memref<16x64xf32, #tpu.memory_space<vmem>>, vector<16xf32>,
        %add3A_1223 = arith.addf %add3A_1203, %get3A_1222 : vector<16xf32>
        %get3A_1224 = arith.constant 7 : i32
        %get3A_1225 = arith.index_cast %get3A_1224 : i32 to index
        %get3A_1226 = arith.constant 16 : index
        %get3A_1227 = tpu.vector_load %arg15[%get3A_1225, %get3A_1226] {strides = array<i32>} : memref<16x64xf32, #tpu.memory_space<vmem>>, vector<16xf32>,
        %add3A_1228 = arith.addf %add3A_1208, %get3A_1227 : vector<16xf32>
        %get3A_1229 = arith.constant 7 : i32
        %get3A_1230 = arith.index_cast %get3A_1229 : i32 to index
        %get3A_1231 = arith.constant 32 : index
        %get3A_1232 = tpu.vector_load %arg15[%get3A_1230, %get3A_1231] {strides = array<i32>} : memref<16x64xf32, #tpu.memory_space<vmem>>, vector<16xf32>,
        %add3A_1233 = arith.addf %add3A_1213, %get3A_1232 : vector<16xf32>
        %get3A_1234 = arith.constant 7 : i32
        %get3A_1235 = arith.index_cast %get3A_1234 : i32 to index
        %get3A_1236 = arith.constant 48 : index
        %get3A_1237 = tpu.vector_load %arg15[%get3A_1235, %get3A_1236] {strides = array<i32>} : memref<16x64xf32, #tpu.memory_space<vmem>>, vector<16xf32>,
        %add3A_1238 = arith.addf %add3A_1218, %get3A_1237 : vector<16xf32>
        %get3A_1239 = arith.constant 8 : i32
        %get3A_1240 = arith.index_cast %get3A_1239 : i32 to index
        %get3A_1241 = arith.constant 0 : index
        %get3A_1242 = tpu.vector_load %arg15[%get3A_1240, %get3A_1241] {strides = array<i32>} : memref<16x64xf32, #tpu.memory_space<vmem>>, vector<16xf32>,
        %add3A_1243 = arith.addf %add3A_1223, %get3A_1242 : vector<16xf32>
        %get3A_1244 = arith.constant 8 : i32
        %get3A_1245 = arith.index_cast %get3A_1244 : i32 to index
        %get3A_1246 = arith.constant 16 : index
        %get3A_1247 = tpu.vector_load %arg15[%get3A_1245, %get3A_1246] {strides = array<i32>} : memref<16x64xf32, #tpu.memory_space<vmem>>, vector<16xf32>,
        %add3A_1248 = arith.addf %add3A_1228, %get3A_1247 : vector<16xf32>
        %get3A_1249 = arith.constant 8 : i32
        %get3A_1250 = arith.index_cast %get3A_1249 : i32 to index
        %get3A_1251 = arith.constant 32 : index
        %get3A_1252 = tpu.vector_load %arg15[%get3A_1250, %get3A_1251] {strides = array<i32>} : memref<16x64xf32, #tpu.memory_space<vmem>>, vector<16xf32>,
        %add3A_1253 = arith.addf %add3A_1233, %get3A_1252 : vector<16xf32>
        %get3A_1254 = arith.constant 8 : i32
        %get3A_1255 = arith.index_cast %get3A_1254 : i32 to index
        %get3A_1256 = arith.constant 48 : index
        %get3A_1257 = tpu.vector_load %arg15[%get3A_1255, %get3A_1256] {strides = array<i32>} : memref<16x64xf32, #tpu.memory_space<vmem>>, vector<16xf32>,
        %add3A_1258 = arith.addf %add3A_1238, %get3A_1257 : vector<16xf32>
        %get3A_1259 = arith.constant 9 : i32
        %get3A_1260 = arith.index_cast %get3A_1259 : i32 to index
        %get3A_1261 = arith.constant 0 : index
        %get3A_1262 = tpu.vector_load %arg15[%get3A_1260, %get3A_1261] {strides = array<i32>} : memref<16x64xf32, #tpu.memory_space<vmem>>, vector<16xf32>,
        %add3A_1263 = arith.addf %add3A_1243, %get3A_1262 : vector<16xf32>
        %get3A_1264 = arith.constant 9 : i32
        %get3A_1265 = arith.index_cast %get3A_1264 : i32 to index
        %get3A_1266 = arith.constant 16 : index
        %get3A_1267 = tpu.vector_load %arg15[%get3A_1265, %get3A_1266] {strides = array<i32>} : memref<16x64xf32, #tpu.memory_space<vmem>>, vector<16xf32>,
        %add3A_1268 = arith.addf %add3A_1248, %get3A_1267 : vector<16xf32>
        %get3A_1269 = arith.constant 9 : i32
        %get3A_1270 = arith.index_cast %get3A_1269 : i32 to index
        %get3A_1271 = arith.constant 32 : index
        %get3A_1272 = tpu.vector_load %arg15[%get3A_1270, %get3A_1271] {strides = array<i32>} : memref<16x64xf32, #tpu.memory_space<vmem>>, vector<16xf32>,
        %add3A_1273 = arith.addf %add3A_1253, %get3A_1272 : vector<16xf32>
        %get3A_1274 = arith.constant 9 : i32
        %get3A_1275 = arith.index_cast %get3A_1274 : i32 to index
        %get3A_1276 = arith.constant 48 : index
        %get3A_1277 = tpu.vector_load %arg15[%get3A_1275, %get3A_1276] {strides = array<i32>} : memref<16x64xf32, #tpu.memory_space<vmem>>, vector<16xf32>,
        %add3A_1278 = arith.addf %add3A_1258, %get3A_1277 : vector<16xf32>
        %get3A_1279 = arith.constant 10 : i32
        %get3A_1280 = arith.index_cast %get3A_1279 : i32 to index
        %get3A_1281 = arith.constant 0 : index
        %get3A_1282 = tpu.vector_load %arg15[%get3A_1280, %get3A_1281] {strides = array<i32>} : memref<16x64xf32, #tpu.memory_space<vmem>>, vector<16xf32>,
        %add3A_1283 = arith.addf %add3A_1263, %get3A_1282 : vector<16xf32>
        %get3A_1284 = arith.constant 10 : i32
        %get3A_1285 = arith.index_cast %get3A_1284 : i32 to index
        %get3A_1286 = arith.constant 16 : index
        %get3A_1287 = tpu.vector_load %arg15[%get3A_1285, %get3A_1286] {strides = array<i32>} : memref<16x64xf32, #tpu.memory_space<vmem>>, vector<16xf32>,
        %add3A_1288 = arith.addf %add3A_1268, %get3A_1287 : vector<16xf32>
        %get3A_1289 = arith.constant 10 : i32
        %get3A_1290 = arith.index_cast %get3A_1289 : i32 to index
        %get3A_1291 = arith.constant 32 : index
        %get3A_1292 = tpu.vector_load %arg15[%get3A_1290, %get3A_1291] {strides = array<i32>} : memref<16x64xf32, #tpu.memory_space<vmem>>, vector<16xf32>,
        %add3A_1293 = arith.addf %add3A_1273, %get3A_1292 : vector<16xf32>
        %get3A_1294 = arith.constant 10 : i32
        %get3A_1295 = arith.index_cast %get3A_1294 : i32 to index
        %get3A_1296 = arith.constant 48 : index
        %get3A_1297 = tpu.vector_load %arg15[%get3A_1295, %get3A_1296] {strides = array<i32>} : memref<16x64xf32, #tpu.memory_space<vmem>>, vector<16xf32>,
        %add3A_1298 = arith.addf %add3A_1278, %get3A_1297 : vector<16xf32>
        %get3A_1299 = arith.constant 11 : i32
        %get3A_1300 = arith.index_cast %get3A_1299 : i32 to index
        %get3A_1301 = arith.constant 0 : index
        %get3A_1302 = tpu.vector_load %arg15[%get3A_1300, %get3A_1301] {strides = array<i32>} : memref<16x64xf32, #tpu.memory_space<vmem>>, vector<16xf32>,
        %add3A_1303 = arith.addf %add3A_1283, %get3A_1302 : vector<16xf32>
        %get3A_1304 = arith.constant 11 : i32
        %get3A_1305 = arith.index_cast %get3A_1304 : i32 to index
        %get3A_1306 = arith.constant 16 : index
        %get3A_1307 = tpu.vector_load %arg15[%get3A_1305, %get3A_1306] {strides = array<i32>} : memref<16x64xf32, #tpu.memory_space<vmem>>, vector<16xf32>,
        %add3A_1308 = arith.addf %add3A_1288, %get3A_1307 : vector<16xf32>
        %get3A_1309 = arith.constant 11 : i32
        %get3A_1310 = arith.index_cast %get3A_1309 : i32 to index
        %get3A_1311 = arith.constant 32 : index
        %get3A_1312 = tpu.vector_load %arg15[%get3A_1310, %get3A_1311] {strides = array<i32>} : memref<16x64xf32, #tpu.memory_space<vmem>>, vector<16xf32>,
        %add3A_1313 = arith.addf %add3A_1293, %get3A_1312 : vector<16xf32>
        %get3A_1314 = arith.constant 11 : i32
        %get3A_1315 = arith.index_cast %get3A_1314 : i32 to index
        %get3A_1316 = arith.constant 48 : index
        %get3A_1317 = tpu.vector_load %arg15[%get3A_1315, %get3A_1316] {strides = array<i32>} : memref<16x64xf32, #tpu.memory_space<vmem>>, vector<16xf32>,
        %add3A_1318 = arith.addf %add3A_1298, %get3A_1317 : vector<16xf32>
        %get3A_1319 = arith.constant 12 : i32
        %get3A_1320 = arith.index_cast %get3A_1319 : i32 to index
        %get3A_1321 = arith.constant 0 : index
        %get3A_1322 = tpu.vector_load %arg15[%get3A_1320, %get3A_1321] {strides = array<i32>} : memref<16x64xf32, #tpu.memory_space<vmem>>, vector<16xf32>,
        %add3A_1323 = arith.addf %add3A_1303, %get3A_1322 : vector<16xf32>
        %get3A_1324 = arith.constant 12 : i32
        %get3A_1325 = arith.index_cast %get3A_1324 : i32 to index
        %get3A_1326 = arith.constant 16 : index
        %get3A_1327 = tpu.vector_load %arg15[%get3A_1325, %get3A_1326] {strides = array<i32>} : memref<16x64xf32, #tpu.memory_space<vmem>>, vector<16xf32>,
        %add3A_1328 = arith.addf %add3A_1308, %get3A_1327 : vector<16xf32>
        %get3A_1329 = arith.constant 12 : i32
        %get3A_1330 = arith.index_cast %get3A_1329 : i32 to index
        %get3A_1331 = arith.constant 32 : index
        %get3A_1332 = tpu.vector_load %arg15[%get3A_1330, %get3A_1331] {strides = array<i32>} : memref<16x64xf32, #tpu.memory_space<vmem>>, vector<16xf32>,
        %add3A_1333 = arith.addf %add3A_1313, %get3A_1332 : vector<16xf32>
        %get3A_1334 = arith.constant 12 : i32
        %get3A_1335 = arith.index_cast %get3A_1334 : i32 to index
        %get3A_1336 = arith.constant 48 : index
        %get3A_1337 = tpu.vector_load %arg15[%get3A_1335, %get3A_1336] {strides = array<i32>} : memref<16x64xf32, #tpu.memory_space<vmem>>, vector<16xf32>,
        %add3A_1338 = arith.addf %add3A_1318, %get3A_1337 : vector<16xf32>
        %get3A_1339 = arith.constant 13 : i32
        %get3A_1340 = arith.index_cast %get3A_1339 : i32 to index
        %get3A_1341 = arith.constant 0 : index
        %get3A_1342 = tpu.vector_load %arg15[%get3A_1340, %get3A_1341] {strides = array<i32>} : memref<16x64xf32, #tpu.memory_space<vmem>>, vector<16xf32>,
        %add3A_1343 = arith.addf %add3A_1323, %get3A_1342 : vector<16xf32>
        %get3A_1344 = arith.constant 13 : i32
        %get3A_1345 = arith.index_cast %get3A_1344 : i32 to index
        %get3A_1346 = arith.constant 16 : index
        %get3A_1347 = tpu.vector_load %arg15[%get3A_1345, %get3A_1346] {strides = array<i32>} : memref<16x64xf32, #tpu.memory_space<vmem>>, vector<16xf32>,
        %add3A_1348 = arith.addf %add3A_1328, %get3A_1347 : vector<16xf32>
        %get3A_1349 = arith.constant 13 : i32
        %get3A_1350 = arith.index_cast %get3A_1349 : i32 to index
        %get3A_1351 = arith.constant 32 : index
        %get3A_1352 = tpu.vector_load %arg15[%get3A_1350, %get3A_1351] {strides = array<i32>} : memref<16x64xf32, #tpu.memory_space<vmem>>, vector<16xf32>,
        %add3A_1353 = arith.addf %add3A_1333, %get3A_1352 : vector<16xf32>
        %get3A_1354 = arith.constant 13 : i32
        %get3A_1355 = arith.index_cast %get3A_1354 : i32 to index
        %get3A_1356 = arith.constant 48 : index
        %get3A_1357 = tpu.vector_load %arg15[%get3A_1355, %get3A_1356] {strides = array<i32>} : memref<16x64xf32, #tpu.memory_space<vmem>>, vector<16xf32>,
        %add3A_1358 = arith.addf %add3A_1338, %get3A_1357 : vector<16xf32>
        %get3A_1359 = arith.constant 14 : i32
        %get3A_1360 = arith.index_cast %get3A_1359 : i32 to index
        %get3A_1361 = arith.constant 0 : index
        %get3A_1362 = tpu.vector_load %arg15[%get3A_1360, %get3A_1361] {strides = array<i32>} : memref<16x64xf32, #tpu.memory_space<vmem>>, vector<16xf32>,
        %add3A_1363 = arith.addf %add3A_1343, %get3A_1362 : vector<16xf32>
        %get3A_1364 = arith.constant 14 : i32
        %get3A_1365 = arith.index_cast %get3A_1364 : i32 to index
        %get3A_1366 = arith.constant 16 : index
        %get3A_1367 = tpu.vector_load %arg15[%get3A_1365, %get3A_1366] {strides = array<i32>} : memref<16x64xf32, #tpu.memory_space<vmem>>, vector<16xf32>,
        %add3A_1368 = arith.addf %add3A_1348, %get3A_1367 : vector<16xf32>
        %get3A_1369 = arith.constant 14 : i32
        %get3A_1370 = arith.index_cast %get3A_1369 : i32 to index
        %get3A_1371 = arith.constant 32 : index
        %get3A_1372 = tpu.vector_load %arg15[%get3A_1370, %get3A_1371] {strides = array<i32>} : memref<16x64xf32, #tpu.memory_space<vmem>>, vector<16xf32>,
        %add3A_1373 = arith.addf %add3A_1353, %get3A_1372 : vector<16xf32>
        %get3A_1374 = arith.constant 14 : i32
        %get3A_1375 = arith.index_cast %get3A_1374 : i32 to index
        %get3A_1376 = arith.constant 48 : index
        %get3A_1377 = tpu.vector_load %arg15[%get3A_1375, %get3A_1376] {strides = array<i32>} : memref<16x64xf32, #tpu.memory_space<vmem>>, vector<16xf32>,
        %add3A_1378 = arith.addf %add3A_1358, %get3A_1377 : vector<16xf32>
        %get3A_1379 = arith.constant 15 : i32
        %get3A_1380 = arith.index_cast %get3A_1379 : i32 to index
        %get3A_1381 = arith.constant 0 : index
        %get3A_1382 = tpu.vector_load %arg15[%get3A_1380, %get3A_1381] {strides = array<i32>} : memref<16x64xf32, #tpu.memory_space<vmem>>, vector<16xf32>,
        %add3A_1383 = arith.addf %add3A_1363, %get3A_1382 : vector<16xf32>
        %get3A_1384 = arith.constant 15 : i32
        %get3A_1385 = arith.index_cast %get3A_1384 : i32 to index
        %get3A_1386 = arith.constant 16 : index
        %get3A_1387 = tpu.vector_load %arg15[%get3A_1385, %get3A_1386] {strides = array<i32>} : memref<16x64xf32, #tpu.memory_space<vmem>>, vector<16xf32>,
        %add3A_1388 = arith.addf %add3A_1368, %get3A_1387 : vector<16xf32>
        %get3A_1389 = arith.constant 15 : i32
        %get3A_1390 = arith.index_cast %get3A_1389 : i32 to index
        %get3A_1391 = arith.constant 32 : index
        %get3A_1392 = tpu.vector_load %arg15[%get3A_1390, %get3A_1391] {strides = array<i32>} : memref<16x64xf32, #tpu.memory_space<vmem>>, vector<16xf32>,
        %add3A_1393 = arith.addf %add3A_1373, %get3A_1392 : vector<16xf32>
        %get3A_1394 = arith.constant 15 : i32
        %get3A_1395 = arith.index_cast %get3A_1394 : i32 to index
        %get3A_1396 = arith.constant 48 : index
        %get3A_1397 = tpu.vector_load %arg15[%get3A_1395, %get3A_1396] {strides = array<i32>} : memref<16x64xf32, #tpu.memory_space<vmem>>, vector<16xf32>,
        %add3A_1398 = arith.addf %add3A_1378, %get3A_1397 : vector<16xf32>
        %mul3A_1399 = arith.constant 5.000000e-03 : f32
        %mul3A_1400 = vector.broadcast %mul3A_1399 : f32 to vector<16xf32>
        %mul3A_1401 = arith.mulf %add3A_1383, %mul3A_1400 : vector<16xf32>
        %mul3A_1402 = arith.constant 5.000000e-03 : f32
        %mul3A_1403 = vector.broadcast %mul3A_1402 : f32 to vector<16xf32>
        %mul3A_1404 = arith.mulf %add3A_1388, %mul3A_1403 : vector<16xf32>
        %mul3A_1405 = arith.constant 5.000000e-03 : f32
        %mul3A_1406 = vector.broadcast %mul3A_1405 : f32 to vector<16xf32>
        %mul3A_1407 = arith.mulf %add3A_1393, %mul3A_1406 : vector<16xf32>
        %mul3A_1408 = arith.constant 5.000000e-03 : f32
        %mul3A_1409 = vector.broadcast %mul3A_1408 : f32 to vector<16xf32>
        %mul3A_1410 = arith.mulf %add3A_1398, %mul3A_1409 : vector<16xf32>
        %get3A_1411 = arith.constant 0 : i32
        %get3A_1412 = arith.index_cast %get3A_1411 : i32 to index
        %get3A_1413 = arith.constant 0 : index
        %get3A_1414 = tpu.vector_load %arg16[%get3A_1412, %get3A_1413] {strides = array<i32>} : memref<2x64xf32, #tpu.memory_space<vmem>>, vector<16xf32>,
        %mul3A_1415 = arith.mulf %get3A_1414, %mul3A_1401 : vector<16xf32>
        %get3A_1416 = arith.constant 0 : i32
        %get3A_1417 = arith.index_cast %get3A_1416 : i32 to index
        %get3A_1418 = arith.constant 16 : index
        %get3A_1419 = tpu.vector_load %arg16[%get3A_1417, %get3A_1418] {strides = array<i32>} : memref<2x64xf32, #tpu.memory_space<vmem>>, vector<16xf32>,
        %mul3A_1420 = arith.mulf %get3A_1419, %mul3A_1404 : vector<16xf32>
        %add3A_1421 = arith.addf %mul3A_1415, %mul3A_1420 : vector<16xf32>
        %get3A_1422 = arith.constant 0 : i32
        %get3A_1423 = arith.index_cast %get3A_1422 : i32 to index
        %get3A_1424 = arith.constant 32 : index
        %get3A_1425 = tpu.vector_load %arg16[%get3A_1423, %get3A_1424] {strides = array<i32>} : memref<2x64xf32, #tpu.memory_space<vmem>>, vector<16xf32>,
        %mul3A_1426 = arith.mulf %get3A_1425, %mul3A_1407 : vector<16xf32>
        %add3A_1427 = arith.addf %add3A_1421, %mul3A_1426 : vector<16xf32>
        %get3A_1428 = arith.constant 0 : i32
        %get3A_1429 = arith.index_cast %get3A_1428 : i32 to index
        %get3A_1430 = arith.constant 48 : index
        %get3A_1431 = tpu.vector_load %arg16[%get3A_1429, %get3A_1430] {strides = array<i32>} : memref<2x64xf32, #tpu.memory_space<vmem>>, vector<16xf32>,
        %mul3A_1432 = arith.mulf %get3A_1431, %mul3A_1410 : vector<16xf32>
        %add3A_1433 = arith.addf %add3A_1427, %mul3A_1432 : vector<16xf32>
        %get3A_1434 = arith.constant 1 : i32
        %get3A_1435 = arith.index_cast %get3A_1434 : i32 to index
        %get3A_1436 = arith.constant 0 : index
        %get3A_1437 = tpu.vector_load %arg16[%get3A_1435, %get3A_1436] {strides = array<i32>} : memref<2x64xf32, #tpu.memory_space<vmem>>, vector<16xf32>,
        %mul3A_1438 = arith.mulf %get3A_1437, %mul3A_1401 : vector<16xf32>
        %get3A_1439 = arith.constant 1 : i32
        %get3A_1440 = arith.index_cast %get3A_1439 : i32 to index
        %get3A_1441 = arith.constant 16 : index
        %get3A_1442 = tpu.vector_load %arg16[%get3A_1440, %get3A_1441] {strides = array<i32>} : memref<2x64xf32, #tpu.memory_space<vmem>>, vector<16xf32>,
        %mul3A_1443 = arith.mulf %get3A_1442, %mul3A_1404 : vector<16xf32>
        %add3A_1444 = arith.addf %mul3A_1438, %mul3A_1443 : vector<16xf32>
        %get3A_1445 = arith.constant 1 : i32
        %get3A_1446 = arith.index_cast %get3A_1445 : i32 to index
        %get3A_1447 = arith.constant 32 : index
        %get3A_1448 = tpu.vector_load %arg16[%get3A_1446, %get3A_1447] {strides = array<i32>} : memref<2x64xf32, #tpu.memory_space<vmem>>, vector<16xf32>,
        %mul3A_1449 = arith.mulf %get3A_1448, %mul3A_1407 : vector<16xf32>
        %add3A_1450 = arith.addf %add3A_1444, %mul3A_1449 : vector<16xf32>
        %get3A_1451 = arith.constant 1 : i32
        %get3A_1452 = arith.index_cast %get3A_1451 : i32 to index
        %get3A_1453 = arith.constant 48 : index
        %get3A_1454 = tpu.vector_load %arg16[%get3A_1452, %get3A_1453] {strides = array<i32>} : memref<2x64xf32, #tpu.memory_space<vmem>>, vector<16xf32>,
        %mul3A_1455 = arith.mulf %get3A_1454, %mul3A_1410 : vector<16xf32>
        %add3A_1456 = arith.addf %add3A_1450, %mul3A_1455 : vector<16xf32>
        %eq3A_1457 = arith.constant 0 : i32
        %eq3A_1458 = vector.broadcast %eq3A_1457 : i32 to vector<16xi32>
        %eq3A_1459 = arith.cmpi eq, %iota3A, %eq3A_1458 : vector<16xi32>
        %lt3A = arith.constant 2 : i32
        %lt3A_1460 = vector.broadcast %lt3A : i32 to vector<16xi32>
        %lt3A_1461 = arith.cmpi slt, %iota3A, %lt3A_1460 : vector<16xi32>
        %reduce_sum3A = arith.constant true
        %reduce_sum3A_1462 = vector.broadcast %reduce_sum3A : i1 to vector<16xi1>
        %reduce_sum3A_1463 = tpu.scan <sum>, %add3A_1433 masked %reduce_sum3A_1462 : vector<16xf32>, vector<16xi1> -> vector<16xf32>
        %reduce_sum3A_1464 = vector.extract %reduce_sum3A_1463[15] : f32 from vector<16xf32>
        %broadcast_in_dim3A_1465 = vector.broadcast %reduce_sum3A_1464 : f32 to vector<16xf32>
        %reduce_sum3A_1466 = arith.constant true
        %reduce_sum3A_1467 = vector.broadcast %reduce_sum3A_1466 : i1 to vector<16xi1>
        %reduce_sum3A_1468 = tpu.scan <sum>, %add3A_1456 masked %reduce_sum3A_1467 : vector<16xf32>, vector<16xi1> -> vector<16xf32>
        %reduce_sum3A_1469 = vector.extract %reduce_sum3A_1468[15] : f32 from vector<16xf32>
        %broadcast_in_dim3A_1470 = vector.broadcast %reduce_sum3A_1469 : f32 to vector<16xf32>
        %get3A_1471 = arith.constant 0 : index
        %get3A_1472 = tpu.vector_load %arg17[%get3A_1471] {strides = array<i32>} : memref<16xf32, #tpu.memory_space<vmem>>, vector<16xf32>,
        %select_n3A = arith.select %eq3A_1459, %broadcast_in_dim3A_1465, %broadcast_in_dim3A_1470 : vector<16xi1>, vector<16xf32>
        %add3A_1473 = arith.addf %select_n3A, %get3A_1472 : vector<16xf32>
        %jit3A = arith.constant -1.000000e+02 : f32
        %broadcast_in_dim3A_1474 = vector.broadcast %jit3A : f32 to vector<16xf32>
        %select_n3A_1475 = arith.select %lt3A_1461, %add3A_1473, %broadcast_in_dim3A_1474 : vector<16xi1>, vector<16xf32>
        %jit3A_1476 = arith.constant -1.000000e+30 : f32
        %broadcast_in_dim3A_1477 = vector.broadcast %jit3A_1476 : f32 to vector<16xf32>
        %select_n3A_1478 = arith.select %lt3A_1461, %select_n3A_1475, %broadcast_in_dim3A_1477 : vector<16xi1>, vector<16xf32>
        %reduce_max3A = arith.constant true
        %reduce_max3A_1479 = vector.broadcast %reduce_max3A : i1 to vector<16xi1>
        %reduce_max3A_1480 = tpu.scan <max>, %select_n3A_1478 masked %reduce_max3A_1479 : vector<16xf32>, vector<16xi1> -> vector<16xf32>
        %reduce_max3A_1481 = vector.extract %reduce_max3A_1480[15] : f32 from vector<16xf32>
        %broadcast_in_dim3A_1482 = vector.broadcast %reduce_max3A_1481 : f32 to vector<16xf32>
        %sub3A = arith.subf %select_n3A_1475, %broadcast_in_dim3A_1482 : vector<16xf32>
        %exp3A = math.exp %sub3A : vector<16xf32>
        %reduce_sum3A_1483 = arith.constant true
        %reduce_sum3A_1484 = vector.broadcast %reduce_sum3A_1483 : i1 to vector<16xi1>
        %reduce_sum3A_1485 = tpu.scan <sum>, %exp3A masked %reduce_sum3A_1484 : vector<16xf32>, vector<16xi1> -> vector<16xf32>
        %reduce_sum3A_1486 = vector.extract %reduce_sum3A_1485[15] : f32 from vector<16xf32>
        %broadcast_in_dim3A_1487 = vector.broadcast %reduce_sum3A_1486 : f32 to vector<16xf32>
        %sub3A_1488 = arith.constant 1.000000e+00 : f32
        %sub3A_1489 = vector.broadcast %sub3A_1488 : f32 to vector<16xf32>
        %sub3A_1490 = arith.subf %broadcast_in_dim3A_1487, %sub3A_1489 : vector<16xf32>
        %mul3A_1491 = arith.constant 2.500000e-01 : f32
        %mul3A_1492 = vector.broadcast %mul3A_1491 : f32 to vector<16xf32>
        %mul3A_1493 = arith.mulf %mul3A_1492, %sub3A_1490 : vector<16xf32>
        %sub3A_1494 = arith.constant 0.333333343 : f32
        %sub3A_1495 = vector.broadcast %sub3A_1494 : f32 to vector<16xf32>
        %sub3A_1496 = arith.subf %sub3A_1495, %mul3A_1493 : vector<16xf32>
        %mul3A_1497 = arith.mulf %sub3A_1490, %sub3A_1496 : vector<16xf32>
        %sub3A_1498 = arith.constant 5.000000e-01 : f32
        %sub3A_1499 = vector.broadcast %sub3A_1498 : f32 to vector<16xf32>
        %sub3A_1500 = arith.subf %sub3A_1499, %mul3A_1497 : vector<16xf32>
        %mul3A_1501 = arith.mulf %sub3A_1490, %sub3A_1500 : vector<16xf32>
        %sub3A_1502 = arith.constant 1.000000e+00 : f32
        %sub3A_1503 = vector.broadcast %sub3A_1502 : f32 to vector<16xf32>
        %sub3A_1504 = arith.subf %sub3A_1503, %mul3A_1501 : vector<16xf32>
        %mul3A_1505 = arith.mulf %sub3A_1490, %sub3A_1504 : vector<16xf32>
        %neg3A = arith.constant 0.000000e+00 : f32
        %neg3A_1506 = vector.broadcast %neg3A : f32 to vector<16xf32>
        %neg3A_1507 = arith.subf %neg3A_1506, %mul3A_1505 : vector<16xf32>
        %exp3A_1508 = math.exp %neg3A_1507 : vector<16xf32>
        %mul3A_1509 = arith.mulf %broadcast_in_dim3A_1487, %exp3A_1508 : vector<16xf32>
        %add3A_1510 = arith.addf %mul3A_1505, %mul3A_1509 : vector<16xf32>
        %sub3A_1511 = arith.constant 1.000000e+00 : f32
        %sub3A_1512 = vector.broadcast %sub3A_1511 : f32 to vector<16xf32>
        %sub3A_1513 = arith.subf %add3A_1510, %sub3A_1512 : vector<16xf32>
        %neg3A_1514 = arith.constant 0.000000e+00 : f32
        %neg3A_1515 = vector.broadcast %neg3A_1514 : f32 to vector<16xf32>
        %neg3A_1516 = arith.subf %neg3A_1515, %sub3A_1513 : vector<16xf32>
        %exp3A_1517 = math.exp %neg3A_1516 : vector<16xf32>
        %mul3A_1518 = arith.mulf %broadcast_in_dim3A_1487, %exp3A_1517 : vector<16xf32>
        %add3A_1519 = arith.addf %sub3A_1513, %mul3A_1518 : vector<16xf32>
        %sub3A_1520 = arith.constant 1.000000e+00 : f32
        %sub3A_1521 = vector.broadcast %sub3A_1520 : f32 to vector<16xf32>
        %sub3A_1522 = arith.subf %add3A_1519, %sub3A_1521 : vector<16xf32>
        %neg3A_1523 = arith.constant 0.000000e+00 : f32
        %neg3A_1524 = vector.broadcast %neg3A_1523 : f32 to vector<16xf32>
        %neg3A_1525 = arith.subf %neg3A_1524, %sub3A_1522 : vector<16xf32>
        %exp3A_1526 = math.exp %neg3A_1525 : vector<16xf32>
        %mul3A_1527 = arith.mulf %broadcast_in_dim3A_1487, %exp3A_1526 : vector<16xf32>
        %add3A_1528 = arith.addf %sub3A_1522, %mul3A_1527 : vector<16xf32>
        %sub3A_1529 = arith.constant 1.000000e+00 : f32
        %sub3A_1530 = vector.broadcast %sub3A_1529 : f32 to vector<16xf32>
        %sub3A_1531 = arith.subf %add3A_1528, %sub3A_1530 : vector<16xf32>
        %sub3A_1532 = arith.subf %sub3A, %sub3A_1531 : vector<16xf32>
        %jit3A_1533 = arith.constant 0.000000e+00 : f32
        %broadcast_in_dim3A_1534 = vector.broadcast %jit3A_1533 : f32 to vector<16xf32>
        %select_n3A_1535 = arith.select %lt3A_1461, %sub3A_1532, %broadcast_in_dim3A_1534 : vector<16xi1>, vector<16xf32>
        %swap3A_1536 = arith.constant 0 : index
        %swap3A_1537 = tpu.vector_load %arg18[%swap3A_1536] {strides = array<i32>} : memref<16xf32, #tpu.memory_space<vmem>>, vector<16xf32>,
        tpu.vector_store %arg18[%swap3A_1536], %select_n3A_1535 {strides = array<i32>} : memref<16xf32, #tpu.memory_space<vmem>>, vector<16xf32>,
        "tpu.region"() ({
          %run_scoped3A = tpu.sem_alloc : memref<!tpu.dma_semaphore, #tpu.memory_space<semaphore_mem>>
          tpu.enqueue_dma source(%arg18 : memref<16xf32, #tpu.memory_space<vmem>>) target(%arg8 : memref<16xf32, #tpu.memory_space<hbm>>) target_semaphore(%run_scoped3A : memref<!tpu.dma_semaphore, #tpu.memory_space<semaphore_mem>>)
          tpu.wait_dma2 semaphore(%run_scoped3A : memref<!tpu.dma_semaphore, #tpu.memory_space<semaphore_mem>>) src(%arg18 : memref<16xf32, #tpu.memory_space<vmem>>) dst(%arg8 : memref<16xf32, #tpu.memory_space<hbm>>)
          tpu.yield
        }) : () -> ()
      } else {
      }
    } else {
    }
    return
  }
}

</mosaic_0001>

<sc_bundles>
// kernel: _dan_call.3.cloned.1.call-start
scs
__scs_entry_jumppad:
0x0: {  	(pc) =	sbr.rel $0x88, $3  }
0x1: {  	(tag) =	ssettag $0x0;
	lr =	simm.s32 $0x1  }
0x2: {  	[smem:$0x3F9B] =	sst lr;
	_ =	strace $0xD0000000  }
0x3: {  	_ = 	snop  }
0x4: {  	_ = 	snop  }
0x5: {  	_ = 	snop  }
0x6: {  	_ = 	snop  }
0x7: {  	_ = 	snop  }
__scs_overlays_trampoline_lowered:
0x8: {  	[smem:$0x3FAA] =	sst s0  }
0x9: {  	[smem:$0x3FAB] =	sst s1  }
0xa: {  	[smem:$0x3FAC] =	sst s2  }
0xb: {  	[smem:$0x3FAD] =	sst s3  }
0xc: {  	[smem:$0x3FAE] =	sst s4  }
0xd: {  	[smem:$0x3FAF] =	sst s5  }
0xe: {  	[smem:$0x3FB0] =	sst s6  }
0xf: {  	[smem:$0x3FB1] =	sst s7  }
0x10: {  	[smem:$0x3FB2] =	sst s8  }
0x11: {  	[smem:$0x3FB3] =	sst s9;
	s0 =	simm.s32 @!p0 $0x0  }
0x12: {  	s1 =	sld [smem:$0x3F99];
	s0 =	simm.s32 @p0 $0x1  }
0x13: {  	[smem:$0x3FB4] =	sst s0;
	s0 =	simm.s32 @!p1 $0x0  }
0x14: {  	s2 =	sld [smem:$0x3F98];
	s0 =	simm.s32 @p1 $0x1  }
0x15: {  	[smem:$0x3FB5] =	sst s0;
	s0 =	simm.s32 @!p2 $0x0  }
0x16: {  	s3 =	sld [smem:$0x3FDB];
	s0 =	simm.s32 @p2 $0x1  }
0x17: {  	s4 =	simm.s32 $0x1BF5;
	[smem:$0x3FB7] =	sst s0  }
0x18: {  	s0 =	sld [smem:$0x3F9A];
	_ =	swait.ge [sflag:s4], $0x0  }
0x19: {  	s7 =	sld [smem:$0x3F9B]  }
0x1a: {  	s8 =	sadd.s32 $0xFFFFE003, lr  }
0x1b: {  	s9 =	sadd.s32 $0xFFFFFEF7, lr;
	s5 =	simm.s32 $0xFFFFFFFF;
	p2 =	slt.u32 s8, $0xFFFFF086  }
0x1c: {  	p1 =	slt.u32 s9, $0xF7A;
	s5 =	simm.s32 @!p2 $0x0  }
0x1d: {  	s5 =	simm.s32 @p1 $0x1;
	p0 =	seq.s32 s7, s2  }
0x1e: {  	s7 =	smul.u32 @!p0 $0xF7A, s2;
	p2 =	seq.s32 @!p0 s5, $0x0  }
0x1f: {  	s9 =	smul.u32 $0xF7A, s1;
	s8 =	simm.s32 @!p0 $0x1BF5;
	p2 =	por !p2, p0  }
0x20: {  	[sflag:s8] =	ssyncset.s32 @!p0 $0xFFFFF086;
	s6 =	sadd.s32 @!p0 s3, s7;
	s7 =	simm.s32 @!p0 $0x108  }
0x21: {  	s3 =	sadd.s32 s3, s9;
	s6 =	sadd.s32 @!p0 $0x88, s6;
	s7 =	simm.s32 @p2 $0x1082  }
0x22: {  	[simem:s7], [sflag:s8] =	dma.local @!p0 [hbm:s6], $0xF7A  }
0x23: {  	s9 =	sor.u32 $0xD0000000, s2;
	s6 =	simm.s32 $0x108;
	_ =	swait.ge @!p0 [sflag:s8], $0x0  }
0x24: {  	s3 =	sadd.s32 $0x88, s3;
	s6 =	simm.s32 @!p1 $0x1082;
	[sflag:s4] =	ssyncset.s32 $0xFFFFF086  }
0x25: {  	[simem:s6], [sflag:s4] =	dma.local [hbm:s3], $0xF7A  }
0x26: {  	[smem:$0x3F9B] =	sst s1;
	(tag) =	ssettag s2;
	_ =	strace s9  }
0x27: {  	s1 =	sld [smem:$0x3FAB]  }
0x28: {  	s2 =	sld [smem:$0x3FAC]  }
0x29: {  	s4 =	sld [smem:$0x3FAE]  }
0x2a: {  	p0 =	seq.s32 s5, $0x0;
	s5 =	sld [smem:$0x3FAF]  }
0x2b: {  	s6 =	sld [smem:$0x3FB0]  }
0x2c: {  	s7 =	sld [smem:$0x3FB1]  }
0x2d: {  	s3 =	simm.s32 $0x108;
	s8 =	sld [smem:$0x3FB2]  }
0x2e: {  	s3 =	simm.s32 @!p0 $0x1082;
	s9 =	sld [smem:$0x3FB3]  }
0x2f: {  	lr =	sadd.s32 s0, s3;
	s0 =	sld [smem:$0x3FAA]  }
0x30: {  	s3 =	sld [smem:$0x3FAD]  }
0x31: {  	[smem:$0x3FB6] =	sst s10  }
0x32: {  	s10 =	sld [smem:$0x3FB4];
	_ =	sdelay $0x3  }
0x33: {  	p0 =	seq.s32 s10, $0x1;
	s10 =	sld [smem:$0x3FB6];
	_ =	sdelay $0x3  }
0x34: {  	[smem:$0x3FB6] =	sst s10  }
0x35: {  	s10 =	sld [smem:$0x3FB5];
	_ =	sdelay $0x3  }
0x36: {  	p1 =	seq.s32 s10, $0x1;
	s10 =	sld [smem:$0x3FB6];
	_ =	sdelay $0x3  }
0x37: {  	[smem:$0x3FB6] =	sst s10  }
0x38: {  	s10 =	sld [smem:$0x3FB7]  }
0x39: {  	_ = 	snop;
	(pc) =	sbr.ind lr, $3  }
0x3a: {  	_ = 	snop  }
0x3b: {  	_ = 	snop  }
0x3c: {  	p2 =	seq.s32 s10, $0x1;
	s10 =	sld [smem:$0x3FB6]  }
0x3d: {  	_ =	shalt  }
0x3e: {  	_ =	shalt  }
0x3f: {  	_ =	shalt  }
0x40: {  	_ =	shalt  }
0x41: {  	_ =	shalt  }
0x42: {  	_ =	shalt  }
0x43: {  	_ =	shalt  }
0x44: {  	_ =	shalt  }
0x45: {  	_ =	shalt  }
0x46: {  	_ =	shalt  }
0x47: {  	_ =	shalt  }
0x48: {  	_ =	shalt  }
0x49: {  	_ =	shalt  }
0x4a: {  	_ =	shalt  }
0x4b: {  	_ =	shalt  }
0x4c: {  	_ =	shalt  }
0x4d: {  	_ =	shalt  }
0x4e: {  	_ =	shalt  }
0x4f: {  	_ =	shalt  }
0x50: {  	_ =	shalt  }
0x51: {  	_ =	shalt  }
0x52: {  	_ =	shalt  }
0x53: {  	_ =	shalt  }
0x54: {  	_ =	shalt  }
0x55: {  	_ =	shalt  }
0x56: {  	_ =	shalt  }
0x57: {  	_ =	shalt  }
0x58: {  	_ =	shalt  }
0x59: {  	_ =	shalt  }
0x5a: {  	_ =	shalt  }
0x5b: {  	_ =	shalt  }
0x5c: {  	_ =	shalt  }
0x5d: {  	_ =	shalt  }
0x5e: {  	_ =	shalt  }
0x5f: {  	_ =	shalt  }
0x60: {  	_ =	shalt  }
0x61: {  	_ =	shalt  }
0x62: {  	_ =	shalt  }
0x63: {  	_ =	shalt  }
0x64: {  	_ =	shalt  }
0x65: {  	_ =	shalt  }
0x66: {  	_ =	shalt  }
0x67: {  	_ =	shalt  }
0x68: {  	_ =	shalt  }
0x69: {  	_ =	shalt  }
0x6a: {  	_ =	shalt  }
0x6b: {  	_ =	shalt  }
0x6c: {  	_ =	shalt  }
0x6d: {  	_ =	shalt  }
0x6e: {  	_ =	shalt  }
0x6f: {  	_ =	shalt  }
0x70: {  	_ =	shalt  }
0x71: {  	_ =	shalt  }
0x72: {  	_ =	shalt  }
0x73: {  	_ =	shalt  }
0x74: {  	_ =	shalt  }
0x75: {  	_ =	shalt  }
0x76: {  	_ =	shalt  }
0x77: {  	_ =	shalt  }
0x78: {  	_ =	shalt  }
0x79: {  	_ =	shalt  }
0x7a: {  	_ =	shalt  }
0x7b: {  	_ =	shalt  }
0x7c: {  	_ =	shalt  }
0x7d: {  	_ =	shalt  }
0x7e: {  	_ =	shalt  }
0x7f: {  	_ =	shalt  }
0x80: {  	_ =	shalt  }
0x81: {  	_ =	shalt  }
0x82: {  	_ =	shalt  }
0x83: {  	_ =	shalt  }
0x84: {  	_ =	shalt  }
0x85: {  	_ =	shalt  }
0x86: {  	_ =	shalt  }
0x87: {  	_ =	shalt  }
.Lfunc_end0:
.L_simem_size_0:
called_computation_lowered:
.L_overlay_start_0:
0x88: {  	s2 =	sld [smem:$0x3FD9]  }
0x89: {  	s3 =	sld [smem:$0x3FFE];
	_ =	sdelay $0x1  }
0x8a: {  	s1 =	srdreg.scid  }
0x8b: {  	s0 =	sand.u32 $0x1, s1  }
0x8c: {  	s18 =	sshll.u32 s0, $0xA;
	s2 =	sadd.s32 s3, s2  }
0x8d: {  	s2 =	sadd.s32 s2, s18  }
0x8e: {  	[smem:$0x3FC2] =	sst s2  }
0x8f: {  	_ = 	snop  }
0x90: {  	s2 =	sld [smem:$0x3FC9]  }
0x91: {  	s19 =	sld [smem:$0x3FC8]  }
0x92: {  	s4 =	sld [smem:$0x3FC7]  }
0x93: {  	s5 =	sld [smem:$0x3FC6]  }
0x94: {  	s6 =	sld [smem:$0x3FC5]  }
0x95: {  	s7 =	sld [smem:$0x3FC4]  }
0x96: {  	s8 =	sld [smem:$0x3FD0];
	(tm) =	ssettm $0x1  }
0x97: {  	s9 =	sld [smem:$0x3FFB];
	_ =	sdelay $0x3  }
0x98: {  	_ =	strace s9  }
0x99: {  	s9 =	sld [smem:$0x3FFC];
	_ =	sdelay $0x3  }
0x9a: {  	_ =	strace s9  }
0x9b: {  	s9 =	sld [smem:$0x3FFD];
	_ =	sdelay $0x3  }
0x9c: {  	_ =	strace s9  }
0x9d: {  	_ =	strace $0x8FFFFFFF  }
0x9e: {  	s20 =	sld [smem:$0x3FDB];
	_ =	sdelay $0x1  }
0x9f: {  	s10 =	simm.s32 $_scs_section_size  }
0xa0: {  	s11 =	simm.s32 $_size__tile_overlayer_lowered;
	s12 =	simm.s32 $_tile_overlayer_lowered  }
0xa1: {  	s23 =	simm.s32 $0x1BFF;
	s22 =	sshll.u32 s12, $0x1;
	s9 =	sadd.s32 s10, s20  }
0xa2: {  	s13 =	simm.s32 $0x0;
	s21 =	sshll.u32 s11, $0x1;
	s11 =	sadd.s32 s22, s9  }
0xa3: {  	[timem:s13], [sflag:s23] =	dma.local [hbm:s11], s21  }
0xa4: {  	_ =	swait.ge [sflag:s23], s21  }
0xa5: {  	s10 =	ssub.s32 $0x0, s21;
	[sflag:s23] =	ssyncset.done $0x0  }
0xa6: {  	[sflag:s23] =	ssyncadd.s32 s10;
	_ =	sdelay $0x1  }
0xa7: {  	s24 =	simm.s32 $0x1B8B  }
0xa8: {  	_ =	swait.ge [sflag:s24], $0x1  }
0xa9: {  	[sflag:s24] =	ssyncset.done $0x0  }
0xaa: {  	s25 =	simm.s32 $0x1B8E;
	[sflag:s24] =	ssyncadd.s32 $0xFFFFFFFF  }
0xab: {  	s26 =	simm.s32 $execute0_lowered;
	[smem:$0x3FD2] =	sst s25  }
0xac: {  	s10 =	sshll.u32 s26, $0x1;
	_ =	strace $0x80000046;
	[dreg:$0x1] =	wrdreg $0xFFFFFFFF  }
0xad: {  	s28 =	simm.s32 $_size_execute0_lowered;
	s9 =	sadd.s32 s9, s10;
	[dreg:$0x0] =	wrdreg $0x0  }
0xae: {  	s10 =	sshll.u32 s28, $0x1;
	[dreg:$0x2] =	wrdreg s9  }
0xaf: {  	[dreg:$0x3] =	wrdreg s10  }
0xb0: {  	[dreg:$0x4] =	wrdreg $0xC0  }
0xb1: {  	_ =	task [dreg:s13], $0x5FFFF  }
0xb2: {  	[dreg:$0x1] =	wrdreg $0xFFFFFFFF  }
0xb3: {  	[dreg:$0x0] =	wrdreg $0x60  }
0xb4: {  	[dreg:$0x2] =	wrdreg s2  }
0xb5: {  	[dreg:$0x3] =	wrdreg s19  }
0xb6: {  	[dreg:$0x4] =	wrdreg s4  }
0xb7: {  	[dreg:$0x5] =	wrdreg s5  }
0xb8: {  	[dreg:$0x6] =	wrdreg s6  }
0xb9: {  	[dreg:$0x7] =	wrdreg s7  }
0xba: {  	[dreg:$0x8] =	wrdreg s8  }
0xbb: {  	[dreg:$0x9] =	wrdreg $0x1A2000  }
0xbc: {  	[dreg:$0xa] =	wrdreg $0x9  }
0xbd: {  	_ =	task.clear_ibuf [dreg:s13], $0xBFFFF;
	_ =	strace $0x90000046  }
0xbe: {  	s29 =	simm.s32 $0x9;
	_ =	strace $0x80000048  }
0xbf: {  	_ =	swait.ge [sflag:s29], $0x1  }
0xc0: {  	[sflag:s29] =	ssyncadd.s32 $0xFFFFFFFF  }
0xc1: {  	_ =	strace $0x90000048  }
0xc2: {  	_ =	sfence  }
0xc3: {  	s30 =	sld [smem:$0x0];
	_ =	sdelay $0x2  }
0xc4: {  	s31 =	sshll.u32 s1, $0xD;
	s1 =	sshrl.u32 s1, $0x2  }
0xc5: {  	s3 =	sand.u32 $0x4000, s31;
	s1 =	sadd.s32 s1, s30  }
0xc6: {  	s0 =	sor.u32 s3, s0;
	s1 =	sshll.u32 s1, $0x11  }
0xc7: {  	s0 =	sor.u32 s1, s0  }
0xc8: {  	s0 =	sadd.s32 $0x8F2B, s0  }
0xc9: {  	[sflag:s0] =	ssyncadd.remote.s32 $0x1  }
0xca: {  	_ =	sfence.sel $0xFFFF  }
0xcb: {  	[dreg:$0x0] =	wrdreg $0xFFFFFFFF;
	(pc) =	sbr.abs _section_cstart, $3  }
0xcc: {  	[dreg:$0x1] =	wrdreg $0xFFFFFFFF  }
0xcd: {  	_ =	task.clear_ibuf [dreg:s13], $0x2FFFF;
	_ =	strace $0x9FFFFFFF  }
0xce: {  	(tm) =	ssettm $0x7FFFFFFF  }
0xcf: {  	_ =	shalt  }
tec
execute0_lowered:
.L_overlay_start_1:
0x0: {  	(tag) =	ssettag $0x1  }
0x1: {  	s7 =	rddreg [dreg:$0x0]  }
0x2: {  	s9 =	rddreg [dreg:$0x1]  }
0x3: {  	s10 =	rddreg [dreg:$0x2]  }
0x4: {  	s8 =	rddreg [dreg:$0x3]  }
0x5: {  	s6 =	rddreg [dreg:$0x4]  }
0x6: {  	s5 =	rddreg [dreg:$0x5]  }
0x7: {  	s2 =	rddreg [dreg:$0x6]  }
0x8: {  	s4 =	rddreg [dreg:$0x7];
	s1 =	srdreg.scid  }
0x9: {  	s0 =	rddreg [dreg:$0x8];
	s11 =	sand.u32 $0x1, s1  }
0xa: {  	s3 =	simm.s32 $0x0;
	s1 =	stileid.u32;
	p0 =	seq.s32 s11, $0x1  }
0xb: {  	[smem:$0x7FF] =	sst s3;
	s11 =	sshll.u32 @!p0 s1, $0x4  }
0xc: {  	_ =	strace $0x80000047;
	s12 =	simm.s32 @!p0 $0x0;
	s7 =	sadd.s32 @!p0 s7, s11  }
0xd: {  	[tilespmem:s12], [sflag:$0x2] =	stream.linear.gather @!p0 [hbm4b:s7+s12], $0x80, $0x38;
	[tilespmem:$0x1AC40] =	vst v63  }
0xe: {  	s7 =	simm.s32 @!p0 $0x2  }
0xf: {  	_ =	swait.ge @!p0 [sflag:s7], $0x80  }
0x10: {  	[sflag:s7] =	ssyncset.done @!p0 $0x0  }
0x11: {  	s13 =	simm.s32 @!p0 $0x80;
	s9 =	sadd.s32 @!p0 s9, s11;
	[sflag:s7] =	ssyncadd.s32 @!p0 $0xFFFFFF80  }
0x12: {  	[tilespmem:s13], [sflag:$0x2] =	stream.linear.gather @!p0 [hbm4b:s9+s12], $0x80, $0x38;
	[tilespmem:$0x1AC40] =	vst v63  }
0x13: {  	_ =	swait.ge @!p0 [sflag:s7], $0x80  }
0x14: {  	[sflag:s7] =	ssyncset.done @!p0 $0x0  }
0x15: {  	s9 =	sadd.s32 @!p0 s10, s11;
	s10 =	simm.s32 @!p0 $0x100;
	[sflag:s7] =	ssyncadd.s32 @!p0 $0xFFFFFF80  }
0x16: {  	[tilespmem:s10], [sflag:$0x2] =	stream.linear.gather @!p0 [hbm4b:s9+s12], $0x80, $0x38;
	[tilespmem:$0x1AC40] =	vst v63  }
0x17: {  	_ =	swait.ge @!p0 [sflag:s7], $0x80  }
0x18: {  	[sflag:s7] =	ssyncset.done @!p0 $0x0  }
0x19: {  	[sflag:s7] =	ssyncadd.s32 @!p0 $0xFFFFFF80  }
0x1a: {  	v0 =	vld @!p0 [tilespmem:$0x0];
	_ =	sdelay $0x4  }
0x1b: {  	v2 =	vshll.u32 @!p0 v0, $0x7  }
0x1c: {  	(v2sf) =	vpush @!p0 v2, $0x0;
	_ =	sdelay $0x3  }
0x1d: {  	(v2sf) =	vpush @!p0 v2, $0x1;
	_ =	sdelay $0x3  }
0x1e: {  	(v2sf) =	vpush @!p0 v2, $0x2;
	_ =	sdelay $0x3  }
0x1f: {  	(v2sf) =	vpush @!p0 v2, $0x3;
	_ =	sdelay $0x2  }
0x20: {  	s9 =	spop @!p0 (v2sf)  }
0x21: {  	s22 =	simm.s32 @!p0 $0x7A1400;
	(v2sf) =	vpush @!p0 v2, $0x4;
	s9 =	sand.u32 @!p0 $0x1FFFFF80, s9  }
0x22: {  	s21 =	simm.s32 @!p0 $0x180;
	v1 =	vld @!p0 [tilespmem:$0x80];
	s10 =	sadd.s32 @!p0 s8, s9;
	s9 =	simm.s32 @!p0 $0x400  }
0x23: {  	v0 =	vld @!p0 [tilespmem:$0x100];
	[tilespmem:s21], [sflag:$0x1] =	stream.strided.gather @!p0 [hbm4b:s10+s9], $0x2000, s22, s9, $0x38;
	[tilespmem:$0x1AC40] =	vst v63  }
0x24: {  	s10 =	spop @!p0 (v2sf)  }
0x25: {  	(v2sf) =	vpush @!p0 v2, $0x5;
	s10 =	sand.u32 @!p0 $0x1FFFFF80, s10  }
0x26: {  	s20 =	simm.s32 @!p0 $0x2180;
	s10 =	sadd.s32 @!p0 s8, s10  }
0x27: {  	[tilespmem:s20], [sflag:$0x1] =	stream.strided.gather @!p0 [hbm4b:s10+s9], $0x2000, s22, s9, $0x38;
	[tilespmem:$0x1AC40] =	vst v63  }
0x28: {  	s10 =	spop @!p0 (v2sf)  }
0x29: {  	(v2sf) =	vpush @!p0 v2, $0x6;
	s10 =	sand.u32 @!p0 $0x1FFFFF80, s10  }
0x2a: {  	s19 =	simm.s32 @!p0 $0x4180;
	s10 =	sadd.s32 @!p0 s8, s10  }
0x2b: {  	[tilespmem:s19], [sflag:$0x1] =	stream.strided.gather @!p0 [hbm4b:s10+s9], $0x2000, s22, s9, $0x38;
	[tilespmem:$0x1AC40] =	vst v63  }
0x2c: {  	s10 =	spop @!p0 (v2sf)  }
0x2d: {  	(v2sf) =	vpush @!p0 v2, $0x7;
	s10 =	sand.u32 @!p0 $0x1FFFFF80, s10  }
0x2e: {  	s18 =	simm.s32 @!p0 $0x6180;
	s10 =	sadd.s32 @!p0 s8, s10  }
0x2f: {  	(v2sf) =	vpush @!p0 v2, $0x8;
	[tilespmem:s18], [sflag:$0x1] =	stream.strided.gather @!p0 [hbm4b:s10+s9], $0x2000, s22, s9, $0x38;
	[tilespmem:$0x1AC40] =	vst v63  }
0x30: {  	s10 =	spop @!p0 (v2sf)  }
0x31: {  	s10 =	sand.u32 @!p0 $0x1FFFFF80, s10  }
0x32: {  	s17 =	simm.s32 @!p0 $0x8180;
	s10 =	sadd.s32 @!p0 s8, s10  }
0x33: {  	[tilespmem:s17], [sflag:$0x1] =	stream.strided.gather @!p0 [hbm4b:s10+s9], $0x2000, s22, s9, $0x38;
	[tilespmem:$0x1AC40] =	vst v63  }
0x34: {  	(v2sf) =	vpush @!p0 v2, $0x9;
	s10 =	spop @!p0 (v2sf)  }
0x35: {  	s10 =	sand.u32 @!p0 $0x1FFFFF80, s10  }
0x36: {  	s16 =	simm.s32 @!p0 $0xA180;
	(v2sf) =	vpush @!p0 v2, $0xA;
	s10 =	sadd.s32 @!p0 s8, s10  }
0x37: {  	[tilespmem:s16], [sflag:$0x1] =	stream.strided.gather @!p0 [hbm4b:s10+s9], $0x2000, s22, s9, $0x38;
	[tilespmem:$0x1AC40] =	vst v63  }
0x38: {  	s10 =	spop @!p0 (v2sf)  }
0x39: {  	(v2sf) =	vpush @!p0 v2, $0xB;
	s10 =	sand.u32 @!p0 $0x1FFFFF80, s10  }
0x3a: {  	s15 =	simm.s32 @!p0 $0xC180;
	s10 =	sadd.s32 @!p0 s8, s10  }
0x3b: {  	[tilespmem:s15], [sflag:$0x1] =	stream.strided.gather @!p0 [hbm4b:s10+s9], $0x2000, s22, s9, $0x38;
	[tilespmem:$0x1AC40] =	vst v63  }
0x3c: {  	s10 =	spop @!p0 (v2sf)  }
0x3d: {  	s10 =	sand.u32 @!p0 $0x1FFFFF80, s10  }
0x3e: {  	s14 =	simm.s32 @!p0 $0xE180;
	(v2sf) =	vpush @!p0 v2, $0xC;
	s11 =	spop @!p0 (v2sf);
	s10 =	sadd.s32 @!p0 s8, s10  }
0x3f: {  	[tilespmem:s14], [sflag:$0x1] =	stream.strided.gather @!p0 [hbm4b:s10+s9], $0x2000, s22, s9, $0x38;
	[tilespmem:$0x1AC40] =	vst v63  }
0x40: {  	s10 =	sand.u32 @!p0 $0x1FFFFF80, s11  }
0x41: {  	s13 =	simm.s32 @!p0 $0x10180;
	s10 =	sadd.s32 @!p0 s8, s10  }
0x42: {  	[tilespmem:s13], [sflag:$0x1] =	stream.strided.gather @!p0 [hbm4b:s10+s9], $0x2000, s22, s9, $0x38;
	[tilespmem:$0x1AC40] =	vst v63  }
0x43: {  	s11 =	spop @!p0 (v2sf)  }
0x44: {  	s10 =	sand.u32 @!p0 $0x1FFFFF80, s11  }
0x45: {  	s12 =	simm.s32 @!p0 $0x12180;
	s10 =	sadd.s32 @!p0 s8, s10;
	s11 =	spop @!p0 (v2sf)  }
0x46: {  	[tilespmem:s12], [sflag:$0x1] =	stream.strided.gather @!p0 [hbm4b:s10+s9], $0x2000, s22, s9, $0x38;
	[tilespmem:$0x1AC40] =	vst v63  }
0x47: {  	s10 =	sand.u32 @!p0 $0x1FFFFF80, s11  }
0x48: {  	s11 =	simm.s32 @!p0 $0x14180;
	s10 =	sadd.s32 @!p0 s8, s10;
	s23 =	spop @!p0 (v2sf)  }
0x49: {  	[tilespmem:s11], [sflag:$0x1] =	stream.strided.gather @!p0 [hbm4b:s10+s9], $0x2000, s22, s9, $0x38;
	[tilespmem:$0x1AC40] =	vst v63  }
0x4a: {  	s10 =	sand.u32 @!p0 $0x1FFFFF80, s23  }
0x4b: {  	s23 =	sadd.s32 @!p0 s8, s10;
	s10 =	simm.s32 @!p0 $0x16180  }
0x4c: {  	[tilespmem:s10], [sflag:$0x1] =	stream.strided.gather @!p0 [hbm4b:s23+s9], $0x2000, s22, s9, $0x38;
	[tilespmem:$0x1AC40] =	vst v63  }
0x4d: {  	v2 =	vlaneseq.u32 @!p0;
	s23 =	spop @!p0 (v2sf)  }
0x4e: {  	v6 =	vbroadcast @!p0 v1, $0x0;
	v2 =	vmul.u32 @!p0 $0x80, v2;
	s23 =	sand.u32 @!p0 $0x1FFFFF80, s23  }
0x4f: {  	s23 =	sadd.s32 @!p0 s8, s23;
	s8 =	simm.s32 @!p0 $0x18180  }
0x50: {  	v7 =	vadd.s32 @!p0 v2, v6;
	v4 =	vor.u32 @!p0 $0x800, v2;
	[tilespmem:s8], [sflag:$0x1] =	stream.strided.gather @!p0 [hbm4b:s23+s9], $0x2000, s22, s9, $0x38;
	[tilespmem:$0x1AC40] =	vst v63  }
0x51: {  	v3 =	vor.u32 @!p0 $0x1000, v2;
	v8 =	vadd.s32 @!p0 v4, v6;
	s9 =	simm.s32 @!p0 $0x1  }
0x52: {  	v5 =	vor.u32 @!p0 $0x1800, v2;
	v9 =	vadd.s32 @!p0 v3, v6;
	_ =	swait.ge @!p0 [sflag:s9], $0x2000  }
0x53: {  	v6 =	vadd.s32 @!p0 v5, v6;
	[sflag:s9] =	ssyncset.done @!p0 $0x0  }
0x54: {  	v10 =	vbroadcast @!p0 v1, $0x1;
	[sflag:s9] =	ssyncadd.s32 @!p0 $0xFFFFE000  }
0x55: {  	v7 =	vld.idx.msk @!p0 [tilespmem:v7+s21+$0x0], $0xffff  }
0x56: {  	v11 =	vadd.s32 @!p0 v2, v10;
	v8 =	vld.idx.msk @!p0 [tilespmem:v8+s21+$0x0], $0xffff  }
0x57: {  	v12 =	vadd.s32 @!p0 v4, v10;
	v9 =	vld.idx.msk @!p0 [tilespmem:v9+s21+$0x0], $0xffff  }
0x58: {  	v13 =	vadd.s32 @!p0 v3, v10;
	v6 =	vld.idx.msk @!p0 [tilespmem:v6+s21+$0x0], $0xffff;
	_ =	swait.ge @!p0 [sflag:s9], $0x2000  }
0x59: {  	v10 =	vadd.s32 @!p0 v5, v10;
	[sflag:s9] =	ssyncset.done @!p0 $0x0  }
0x5a: {  	v14 =	vbroadcast @!p0 v1, $0x2;
	[sflag:s9] =	ssyncadd.s32 @!p0 $0xFFFFE000  }
0x5b: {  	v11 =	vld.idx.msk @!p0 [tilespmem:v11+s20+$0x0], $0xffff  }
0x5c: {  	v15 =	vadd.s32 @!p0 v2, v14;
	v12 =	vld.idx.msk @!p0 [tilespmem:v12+s20+$0x0], $0xffff  }
0x5d: {  	v16 =	vadd.s32 @!p0 v4, v14;
	v13 =	vld.idx.msk @!p0 [tilespmem:v13+s20+$0x0], $0xffff  }
0x5e: {  	v17 =	vadd.s32 @!p0 v3, v14;
	v10 =	vld.idx.msk @!p0 [tilespmem:v10+s20+$0x0], $0xffff;
	_ =	swait.ge @!p0 [sflag:s9], $0x2000  }
0x5f: {  	v14 =	vadd.s32 @!p0 v5, v14;
	[sflag:s9] =	ssyncset.done @!p0 $0x0  }
0x60: {  	v18 =	vbroadcast @!p0 v1, $0x3;
	[sflag:s9] =	ssyncadd.s32 @!p0 $0xFFFFE000  }
0x61: {  	v15 =	vld.idx.msk @!p0 [tilespmem:v15+s19+$0x0], $0xffff  }
0x62: {  	v19 =	vadd.s32 @!p0 v2, v18;
	v16 =	vld.idx.msk @!p0 [tilespmem:v16+s19+$0x0], $0xffff  }
0x63: {  	v20 =	vadd.s32 @!p0 v4, v18;
	v17 =	vld.idx.msk @!p0 [tilespmem:v17+s19+$0x0], $0xffff  }
0x64: {  	v21 =	vadd.s32 @!p0 v3, v18;
	v14 =	vld.idx.msk @!p0 [tilespmem:v14+s19+$0x0], $0xffff;
	_ =	swait.ge @!p0 [sflag:s9], $0x2000  }
0x65: {  	v18 =	vadd.s32 @!p0 v5, v18;
	[sflag:s9] =	ssyncset.done @!p0 $0x0  }
0x66: {  	v22 =	vbroadcast @!p0 v1, $0x4;
	[sflag:s9] =	ssyncadd.s32 @!p0 $0xFFFFE000  }
0x67: {  	v19 =	vld.idx.msk @!p0 [tilespmem:v19+s18+$0x0], $0xffff  }
0x68: {  	v23 =	vadd.s32 @!p0 v2, v22;
	v20 =	vld.idx.msk @!p0 [tilespmem:v20+s18+$0x0], $0xffff  }
0x69: {  	v24 =	vadd.s32 @!p0 v4, v22;
	v21 =	vld.idx.msk @!p0 [tilespmem:v21+s18+$0x0], $0xffff  }
0x6a: {  	v25 =	vadd.s32 @!p0 v3, v22;
	v18 =	vld.idx.msk @!p0 [tilespmem:v18+s18+$0x0], $0xffff;
	_ =	swait.ge @!p0 [sflag:s9], $0x2000  }
0x6b: {  	v22 =	vadd.s32 @!p0 v5, v22;
	[sflag:s9] =	ssyncset.done @!p0 $0x0  }
0x6c: {  	v26 =	vbroadcast @!p0 v1, $0x5;
	[sflag:s9] =	ssyncadd.s32 @!p0 $0xFFFFE000  }
0x6d: {  	v23 =	vld.idx.msk @!p0 [tilespmem:v23+s17+$0x0], $0xffff  }
0x6e: {  	v27 =	vadd.s32 @!p0 v2, v26;
	v24 =	vld.idx.msk @!p0 [tilespmem:v24+s17+$0x0], $0xffff  }
0x6f: {  	v28 =	vadd.s32 @!p0 v4, v26;
	v25 =	vld.idx.msk @!p0 [tilespmem:v25+s17+$0x0], $0xffff  }
0x70: {  	v29 =	vadd.s32 @!p0 v3, v26;
	v22 =	vld.idx.msk @!p0 [tilespmem:v22+s17+$0x0], $0xffff;
	_ =	swait.ge @!p0 [sflag:s9], $0x2000  }
0x71: {  	v26 =	vadd.s32 @!p0 v5, v26;
	[sflag:s9] =	ssyncset.done @!p0 $0x0  }
0x72: {  	v30 =	vbroadcast @!p0 v1, $0x6;
	[sflag:s9] =	ssyncadd.s32 @!p0 $0xFFFFE000  }
0x73: {  	v27 =	vld.idx.msk @!p0 [tilespmem:v27+s16+$0x0], $0xffff  }
0x74: {  	v34 =	vbroadcast @!p0 v1, $0x7;
	v31 =	vadd.s32 @!p0 v2, v30;
	v28 =	vld.idx.msk @!p0 [tilespmem:v28+s16+$0x0], $0xffff  }
0x75: {  	v35 =	vbroadcast @!p0 v0, $0x0;
	v39 =	vbroadcast @!p0 v0, $0x1;
	v32 =	vadd.s32 @!p0 v4, v30;
	v29 =	vld.idx.msk @!p0 [tilespmem:v29+s16+$0x0], $0xffff  }
0x76: {  	v36 =	vadd.s32 @!p0 v2, v34;
	v33 =	vadd.s32 @!p0 v3, v30;
	v30 =	vadd.s32 @!p0 v5, v30;
	v26 =	vld.idx.msk @!p0 [tilespmem:v26+s16+$0x0], $0xffff;
	_ =	swait.ge @!p0 [sflag:s9], $0x2000  }
0x77: {  	v37 =	vadd.s32 @!p0 v4, v34;
	v38 =	vadd.s32 @!p0 v3, v34;
	v7 =	vmul.f32 @!p0 v7, v35;
	[sflag:s9] =	ssyncset.done @!p0 $0x0  }
0x78: {  	v34 =	vadd.s32 @!p0 v5, v34;
	v8 =	vmul.f32 @!p0 v8, v35;
	v9 =	vmul.f32 @!p0 v9, v35;
	[sflag:s9] =	ssyncadd.s32 @!p0 $0xFFFFE000  }
0x79: {  	v6 =	vmul.f32 @!p0 v6, v35;
	v7 =	vadd.f32 @!p0 $0.0e+00, v7;
	v11 =	vmul.f32 @!p0 v11, v39;
	v31 =	vld.idx.msk @!p0 [tilespmem:v31+s15+$0x0], $0xffff  }
0x7a: {  	v8 =	vadd.f32 @!p0 $0.0e+00, v8;
	v9 =	vadd.f32 @!p0 $0.0e+00, v9;
	v12 =	vmul.f32 @!p0 v12, v39;
	v32 =	vld.idx.msk @!p0 [tilespmem:v32+s15+$0x0], $0xffff  }
0x7b: {  	v13 =	vmul.f32 @!p0 v13, v39;
	v7 =	vadd.f32 @!p0 v11, v7;
	v11 =	vbroadcast @!p0 v0, $0x2;
	v33 =	vld.idx.msk @!p0 [tilespmem:v33+s15+$0x0], $0xffff  }
0x7c: {  	v6 =	vadd.f32 @!p0 $0.0e+00, v6;
	v10 =	vmul.f32 @!p0 v10, v39;
	v39 =	vbroadcast @!p0 v0, $0x3;
	v30 =	vld.idx.msk @!p0 [tilespmem:v30+s15+$0x0], $0xffff;
	_ =	swait.ge @!p0 [sflag:s9], $0x2000  }
0x7d: {  	v8 =	vadd.f32 @!p0 v12, v8;
	v15 =	vmul.f32 @!p0 v15, v11;
	v16 =	vmul.f32 @!p0 v16, v11;
	[sflag:s9] =	ssyncset.done @!p0 $0x0  }
0x7e: {  	v6 =	vadd.f32 @!p0 v10, v6;
	v10 =	vmul.f32 @!p0 v17, v11;
	v11 =	vmul.f32 @!p0 v14, v11;
	[sflag:s9] =	ssyncadd.s32 @!p0 $0xFFFFE000  }
0x7f: {  	v9 =	vadd.f32 @!p0 v13, v9;
	v17 =	vbroadcast @!p0 v1, $0x9;
	v35 =	vld.idx.msk @!p0 [tilespmem:v36+s14+$0x0], $0xffff;
	v36 =	vbroadcast @!p0 v1, $0x8  }
0x80: {  	v7 =	vadd.f32 @!p0 v15, v7;
	v14 =	vmul.f32 @!p0 v19, v39;
	v8 =	vadd.f32 @!p0 v16, v8  }
0x81: {  	v9 =	vadd.f32 @!p0 v10, v9;
	v10 =	vmul.f32 @!p0 v20, v39;
	v37 =	vld.idx.msk @!p0 [tilespmem:v37+s14+$0x0], $0xffff;
	v40 =	vadd.s32 @!p0 v2, v36  }
0x82: {  	v6 =	vadd.f32 @!p0 v11, v6;
	v19 =	vadd.s32 @!p0 v4, v17;
	v38 =	vld.idx.msk @!p0 [tilespmem:v38+s14+$0x0], $0xffff;
	v13 =	vadd.s32 @!p0 v4, v36  }
0x83: {  	v20 =	vmul.f32 @!p0 v21, v39;
	v18 =	vmul.f32 @!p0 v18, v39;
	v12 =	vld.idx.msk @!p0 [tilespmem:v34+s14+$0x0], $0xffff;
	_ =	swait.ge @!p0 [sflag:s9], $0x2000;
	v34 =	vadd.s32 @!p0 v3, v36  }
0x84: {  	v8 =	vadd.f32 @!p0 v10, v8;
	v10 =	vbroadcast @!p0 v0, $0x4;
	[sflag:s9] =	ssyncset.done @!p0 $0x0;
	v36 =	vadd.s32 @!p0 v5, v36  }
0x85: {  	v21 =	vadd.s32 @!p0 v3, v17;
	v7 =	vadd.f32 @!p0 v14, v7;
	v14 =	vadd.s32 @!p0 v2, v17;
	[sflag:s9] =	ssyncadd.s32 @!p0 $0xFFFFE000  }
0x86: {  	v17 =	vadd.s32 @!p0 v5, v17;
	v23 =	vmul.f32 @!p0 v23, v10;
	v24 =	vmul.f32 @!p0 v24, v10;
	v15 =	vld.idx.msk @!p0 [tilespmem:v40+s13+$0x0], $0xffff  }
0x87: {  	v9 =	vadd.f32 @!p0 v20, v9;
	v20 =	vmul.f32 @!p0 v25, v10;
	v25 =	vbroadcast @!p0 v0, $0x5;
	v13 =	vld.idx.msk @!p0 [tilespmem:v13+s13+$0x0], $0xffff  }
0x88: {  	v6 =	vadd.f32 @!p0 v18, v6;
	v18 =	vbroadcast @!p0 v1, $0xA;
	v10 =	vmul.f32 @!p0 v22, v10;
	v11 =	vld.idx.msk @!p0 [tilespmem:v34+s13+$0x0], $0xffff  }
0x89: {  	v7 =	vadd.f32 @!p0 v23, v7;
	v8 =	vadd.f32 @!p0 v24, v8;
	v22 =	vmul.f32 @!p0 v27, v25;
	v16 =	vld.idx.msk @!p0 [tilespmem:v36+s13+$0x0], $0xffff;
	_ =	swait.ge @!p0 [sflag:s9], $0x2000  }
0x8a: {  	v9 =	vadd.f32 @!p0 v20, v9;
	v23 =	vmul.f32 @!p0 v29, v25;
	v24 =	vbroadcast @!p0 v0, $0x6;
	[sflag:s9] =	ssyncset.done @!p0 $0x0  }
0x8b: {  	v6 =	vadd.f32 @!p0 v10, v6;
	v20 =	vadd.s32 @!p0 v2, v18;
	v27 =	vadd.s32 @!p0 v3, v18;
	[sflag:s9] =	ssyncadd.s32 @!p0 $0xFFFFE000  }
0x8c: {  	v7 =	vadd.f32 @!p0 v22, v7;
	v9 =	vadd.f32 @!p0 v23, v9;
	v23 =	vmul.f32 @!p0 v31, v24;
	v14 =	vld.idx.msk @!p0 [tilespmem:v14+s12+$0x0], $0xffff  }
0x8d: {  	v29 =	vbroadcast @!p0 v0, $0x8;
	v22 =	vadd.s32 @!p0 v4, v18;
	v10 =	vld.idx.msk @!p0 [tilespmem:v21+s12+$0x0], $0xffff;
	v21 =	vmul.f32 @!p0 v28, v25  }
0x8e: {  	v18 =	vadd.s32 @!p0 v5, v18;
	v7 =	vadd.f32 @!p0 v23, v7;
	v23 =	vmul.f32 @!p0 v30, v24;
	v19 =	vld.idx.msk @!p0 [tilespmem:v19+s12+$0x0], $0xffff  }
0x8f: {  	v17 =	vld.idx.msk @!p0 [tilespmem:v17+s12+$0x0], $0xffff;
	_ =	swait.ge @!p0 [sflag:s9], $0x2000;
	v8 =	vadd.f32 @!p0 v21, v8;
	v21 =	vmul.f32 @!p0 v26, v25;
	v25 =	vmul.f32 @!p0 v32, v24  }
0x90: {  	[sflag:s9] =	ssyncset.done @!p0 $0x0;
	v26 =	vbroadcast @!p0 v1, $0xB;
	v15 =	vmul.f32 @!p0 v15, v29  }
0x91: {  	[sflag:s9] =	ssyncadd.s32 @!p0 $0xFFFFE000;
	v13 =	vmul.f32 @!p0 v13, v29;
	v1 =	vbroadcast @!p0 v1, $0xC  }
0x92: {  	v20 =	vld.idx.msk @!p0 [tilespmem:v20+s11+$0x0], $0xffff;
	v6 =	vadd.f32 @!p0 v21, v6;
	v21 =	vmul.f32 @!p0 v33, v24;
	v24 =	vbroadcast @!p0 v0, $0x7  }
0x93: {  	v11 =	vmul.f32 @!p0 v11, v29;
	v22 =	vld.idx.msk @!p0 [tilespmem:v22+s11+$0x0], $0xffff;
	v8 =	vadd.f32 @!p0 v25, v8;
	v25 =	vadd.s32 @!p0 v2, v26  }
0x94: {  	v18 =	vld.idx.msk @!p0 [tilespmem:v18+s11+$0x0], $0xffff;
	v30 =	vadd.s32 @!p0 v3, v26;
	v6 =	vadd.f32 @!p0 v23, v6;
	v23 =	vmul.f32 @!p0 v35, v24  }
0x95: {  	v9 =	vadd.f32 @!p0 v21, v9;
	v21 =	vld.idx.msk @!p0 [tilespmem:v27+s11+$0x0], $0xffff;
	v27 =	vadd.s32 @!p0 v4, v26;
	v28 =	vmul.f32 @!p0 v37, v24;
	_ =	swait.ge @!p0 [sflag:s9], $0x2000  }
0x96: {  	v26 =	vadd.s32 @!p0 v5, v26;
	[sflag:s9] =	ssyncset.done @!p0 $0x0;
	v7 =	vadd.f32 @!p0 v23, v7;
	v23 =	vmul.f32 @!p0 v38, v24  }
0x97: {  	v2 =	vadd.s32 @!p0 v2, v1;
	v3 =	vadd.s32 @!p0 v3, v1;
	v8 =	vadd.f32 @!p0 v28, v8;
	[sflag:s9] =	ssyncadd.s32 @!p0 $0xFFFFE000  }
0x98: {  	v12 =	vmul.f32 @!p0 v12, v24;
	v4 =	vadd.s32 @!p0 v4, v1;
	v9 =	vadd.f32 @!p0 v23, v9;
	v23 =	vld.idx.msk @!p0 [tilespmem:v25+s10+$0x0], $0xffff  }
0x99: {  	v7 =	vadd.f32 @!p0 v15, v7;
	v8 =	vadd.f32 @!p0 v13, v8;
	v13 =	vbroadcast @!p0 v0, $0x9;
	v15 =	vld.idx.msk @!p0 [tilespmem:v30+s10+$0x0], $0xffff  }
0x9a: {  	v1 =	vadd.s32 @!p0 v5, v1;
	v5 =	vbroadcast @!p0 v0, $0xA;
	v6 =	vadd.f32 @!p0 v12, v6;
	v12 =	vld.idx.msk @!p0 [tilespmem:v27+s10+$0x0], $0xffff  }
0x9b: {  	v9 =	vadd.f32 @!p0 v11, v9;
	v11 =	vmul.f32 @!p0 v16, v29;
	v16 =	vld.idx.msk @!p0 [tilespmem:v26+s10+$0x0], $0xffff;
	v14 =	vmul.f32 @!p0 v14, v13;
	_ =	swait.ge @!p0 [sflag:s9], $0x2000  }
0x9c: {  	v19 =	vmul.f32 @!p0 v19, v13;
	v10 =	vmul.f32 @!p0 v10, v13;
	[sflag:s9] =	ssyncset.done @!p0 $0x0  }
0x9d: {  	v6 =	vadd.f32 @!p0 v11, v6;
	v7 =	vadd.f32 @!p0 v14, v7;
	v11 =	vmul.f32 @!p0 v17, v13;
	[sflag:s9] =	ssyncadd.s32 @!p0 $0xFFFFE000  }
0x9e: {  	v8 =	vadd.f32 @!p0 v19, v8;
	v9 =	vadd.f32 @!p0 v10, v9;
	v10 =	vmul.f32 @!p0 v20, v5;
	v2 =	vld.idx.msk @!p0 [tilespmem:v2+s8+$0x0], $0xffff  }
0x9f: {  	v13 =	vbroadcast @!p0 v0, $0xB;
	v4 =	vld.idx.msk @!p0 [tilespmem:v4+s8+$0x0], $0xffff;
	v6 =	vadd.f32 @!p0 v11, v6;
	v11 =	vmul.f32 @!p0 v22, v5  }
0xa0: {  	v3 =	vld.idx.msk @!p0 [tilespmem:v3+s8+$0x0], $0xffff;
	v7 =	vadd.f32 @!p0 v10, v7;
	v10 =	vmul.f32 @!p0 v21, v5;
	v5 =	vmul.f32 @!p0 v18, v5  }
0xa1: {  	v0 =	vbroadcast @!p0 v0, $0xC;
	v1 =	vld.idx.msk @!p0 [tilespmem:v1+s8+$0x0], $0xffff;
	v8 =	vadd.f32 @!p0 v11, v8;
	v11 =	vmul.f32 @!p0 v23, v13  }
0xa2: {  	v9 =	vadd.f32 @!p0 v10, v9;
	v5 =	vadd.f32 @!p0 v5, v6;
	v6 =	vmul.f32 @!p0 v12, v13  }
0xa3: {  	v10 =	vmul.f32 @!p0 v15, v13;
	v7 =	vadd.f32 @!p0 v11, v7;
	v2 =	vmul.f32 @!p0 v2, v0  }
0xa4: {  	v6 =	vadd.f32 @!p0 v6, v8;
	v8 =	vmul.f32 @!p0 v16, v13;
	v4 =	vmul.f32 @!p0 v4, v0  }
0xa5: {  	v9 =	vadd.f32 @!p0 v10, v9;
	v3 =	vmul.f32 @!p0 v3, v0;
	v2 =	vadd.f32 @!p0 v2, v7  }
0xa6: {  	v0 =	vmul.f32 @!p0 v1, v0;
	v5 =	vadd.f32 @!p0 v8, v5;
	v4 =	vadd.f32 @!p0 v4, v6  }
0xa7: {  	v1 =	vadd.f32 @!p0 v3, v9;
	[tilespmem:$0x1A180] =	vst @!p0 v2  }
0xa8: {  	v0 =	vadd.f32 @!p0 v0, v5;
	[tilespmem:$0x1A190] =	vst @!p0 v4  }
0xa9: {  	p1 =	sne.s32 @!p0 s1, $0x0;
	s8 =	sshll.u32 @!p0 s1, $0x7;
	[tilespmem:$0x1A1A0] =	vst @!p0 v1  }
0xaa: {  	p1 =	por p0, p1;
	s9 =	simm.s32 @!p0 $0x1A180;
	s8 =	sadd.s32 @!p0 s8, s4;
	[tilespmem:$0x1A1B0] =	vst @!p0 v0  }
0xab: {  	[spmem:s8] =	stream.linear.scatter @!p0 [tilespmem:s9], [sflag:$0x2], $0x80, $0x38;
	[tilespmem:$0x1AC40] =	vst v63  }
.Ltmp0:
0xac: {  	_ =	swait.ge @!p0 [sflag:s7], $0x80;
	(pc) =	sbr.rel @p1 .LBB2_2-.Ltmp0, $3  }
0xad: {  	[sflag:s7] =	ssyncset.done @!p0 $0x0  }
0xae: {  	[sflag:s7] =	ssyncadd.s32 @!p0 $0xFFFFFF80  }
0xaf: {  	[bflag:$0x0] =	sbarrier.arrive @!p0 $0xFFFF;
	_ =	sdelay $0x1  }
0xb0: {  	s7 =	simm.s32 $0x1AA40;
	s28 =	simm.s32 $0x2  }
0xb1: {  	[tilespmem:s7], [sflag:$0x2] =	stream.linear.gather [hbm4b:s6+s3], $0x100, $0x38;
	[tilespmem:$0x1AC40] =	vst v63  }
0xb2: {  	_ =	swait.ge [sflag:s28], $0x100  }
0xb3: {  	[sflag:s28] =	ssyncset.done $0x0  }
0xb4: {  	s29 =	simm.s32 $0x1AB40;
	[sflag:s28] =	ssyncadd.s32 $0xFFFFFF00  }
0xb5: {  	[tilespmem:s29], [sflag:$0x2] =	stream.linear.gather [hbm4b:s5+s3], $0x80, $0x38;
	[tilespmem:$0x1AC40] =	vst v63  }
0xb6: {  	_ =	swait.ge [sflag:s28], $0x80  }
0xb7: {  	[sflag:s28] =	ssyncset.done $0x0  }
0xb8: {  	s30 =	simm.s32 $0x1A240;
	[sflag:s28] =	ssyncadd.s32 $0xFFFFFF80  }
0xb9: {  	[tilespmem:s30], [sflag:$0x2] =	stream.linear.gather [spmem:s4], $0x800, $0x38;
	[tilespmem:$0x1AC40] =	vst v63  }
0xba: {  	_ =	swait.ge [sflag:s28], $0x800  }
0xbb: {  	[sflag:s28] =	ssyncset.done $0x0  }
0xbc: {  	[sflag:s28] =	ssyncadd.s32 $0xFFFFF800  }
0xbd: {  	v0 =	vld [tilespmem:$0x1A240]  }
0xbe: {  	v1 =	vld [tilespmem:$0x1A250]  }
0xbf: {  	v2 =	vld [tilespmem:$0x1A260]  }
0xc0: {  	v3 =	vld [tilespmem:$0x1A270]  }
0xc1: {  	v4 =	vld [tilespmem:$0x1A2C0]  }
0xc2: {  	v5 =	vld [tilespmem:$0x1A2D0]  }
0xc3: {  	v6 =	vld [tilespmem:$0x1A2E0]  }
0xc4: {  	v7 =	vld [tilespmem:$0x1A2F0]  }
0xc5: {  	v8 =	vld [tilespmem:$0x1A340]  }
0xc6: {  	v9 =	vld [tilespmem:$0x1A350]  }
0xc7: {  	v10 =	vld [tilespmem:$0x1A360]  }
0xc8: {  	v11 =	vld [tilespmem:$0x1A370]  }
0xc9: {  	v12 =	vld [tilespmem:$0x1A3C0]  }
0xca: {  	v13 =	vld [tilespmem:$0x1A3D0]  }
0xcb: {  	v14 =	vld [tilespmem:$0x1A3E0]  }
0xcc: {  	v15 =	vld [tilespmem:$0x1A3F0]  }
0xcd: {  	v16 =	vld [tilespmem:$0x1A440]  }
0xce: {  	v17 =	vld [tilespmem:$0x1A450]  }
0xcf: {  	v18 =	vld [tilespmem:$0x1A460]  }
0xd0: {  	v19 =	vld [tilespmem:$0x1A470]  }
0xd1: {  	v20 =	vld [tilespmem:$0x1A4C0]  }
0xd2: {  	v21 =	vld [tilespmem:$0x1A4D0]  }
0xd3: {  	v22 =	vld [tilespmem:$0x1A4E0]  }
0xd4: {  	v23 =	vld [tilespmem:$0x1A4F0]  }
0xd5: {  	v24 =	vld [tilespmem:$0x1A540]  }
0xd6: {  	v25 =	vld [tilespmem:$0x1A550]  }
0xd7: {  	v26 =	vld [tilespmem:$0x1A560]  }
0xd8: {  	v27 =	vld [tilespmem:$0x1A570]  }
0xd9: {  	v28 =	vld [tilespmem:$0x1A5C0]  }
0xda: {  	v29 =	vld [tilespmem:$0x1A5D0]  }
0xdb: {  	v30 =	vld [tilespmem:$0x1A5E0]  }
0xdc: {  	v31 =	vld [tilespmem:$0x1A5F0]  }
0xdd: {  	v32 =	vld [tilespmem:$0x1A640]  }
0xde: {  	v33 =	vld [tilespmem:$0x1A650]  }
0xdf: {  	v34 =	vld [tilespmem:$0x1A660]  }
0xe0: {  	v35 =	vld [tilespmem:$0x1A670]  }
0xe1: {  	v36 =	vld [tilespmem:$0x1A6C0]  }
0xe2: {  	v37 =	vld [tilespmem:$0x1A6D0];
	v0 =	vadd.f32 $0.0e+00, v0;
	v1 =	vadd.f32 $0.0e+00, v1  }
0xe3: {  	v38 =	vld [tilespmem:$0x1A6E0];
	v2 =	vadd.f32 $0.0e+00, v2  }
0xe4: {  	v54 =	vld [tilespmem:$0x1A6F0];
	v0 =	vadd.f32 v4, v0;
	v1 =	vadd.f32 v5, v1  }
0xe5: {  	v55 =	vld [tilespmem:$0x1A740];
	v3 =	vadd.f32 $0.0e+00, v3;
	v2 =	vadd.f32 v6, v2  }
0xe6: {  	v56 =	vld [tilespmem:$0x1A750];
	v0 =	vadd.f32 v8, v0;
	v1 =	vadd.f32 v9, v1  }
0xe7: {  	v57 =	vld [tilespmem:$0x1A760];
	v3 =	vadd.f32 v7, v3;
	v2 =	vadd.f32 v10, v2  }
0xe8: {  	v58 =	vld [tilespmem:$0x1A770];
	v0 =	vadd.f32 v12, v0;
	v1 =	vadd.f32 v13, v1  }
0xe9: {  	v59 =	vld [tilespmem:$0x1A7C0];
	v3 =	vadd.f32 v11, v3;
	v2 =	vadd.f32 v14, v2  }
0xea: {  	v60 =	vld [tilespmem:$0x1A7D0];
	v0 =	vadd.f32 v16, v0;
	v1 =	vadd.f32 v17, v1  }
0xeb: {  	v61 =	vld [tilespmem:$0x1A7E0];
	v3 =	vadd.f32 v15, v3;
	v2 =	vadd.f32 v18, v2  }
0xec: {  	v62 =	vld [tilespmem:$0x1A7F0];
	v0 =	vadd.f32 v20, v0;
	v1 =	vadd.f32 v21, v1  }
0xed: {  	v63 =	vld [tilespmem:$0x1A840];
	v3 =	vadd.f32 v19, v3;
	v2 =	vadd.f32 v22, v2  }
0xee: {  	v39 =	vld [tilespmem:$0x1A9D0];
	v0 =	vadd.f32 v24, v0;
	v1 =	vadd.f32 v25, v1  }
0xef: {  	v40 =	vld [tilespmem:$0x1A9E0];
	v3 =	vadd.f32 v23, v3;
	v2 =	vadd.f32 v26, v2  }
0xf0: {  	v41 =	vld [tilespmem:$0x1A9F0];
	v0 =	vadd.f32 v28, v0;
	v1 =	vadd.f32 v29, v1  }
0xf1: {  	v25 =	vld [tilespmem:$0x1A850];
	v3 =	vadd.f32 v27, v3;
	v2 =	vadd.f32 v30, v2  }
0xf2: {  	v26 =	vld [tilespmem:$0x1A860];
	v0 =	vadd.f32 v32, v0;
	v1 =	vadd.f32 v33, v1  }
0xf3: {  	v28 =	vld [tilespmem:$0x1A870];
	v3 =	vadd.f32 v31, v3;
	v2 =	vadd.f32 v34, v2  }
0xf4: {  	v29 =	vld [tilespmem:$0x1A8C0];
	v0 =	vadd.f32 v36, v0;
	v1 =	vadd.f32 v37, v1  }
0xf5: {  	v30 =	vld [tilespmem:$0x1A8D0];
	v3 =	vadd.f32 v35, v3;
	v2 =	vadd.f32 v38, v2  }
0xf6: {  	v32 =	vld [tilespmem:$0x1A8E0];
	v0 =	vadd.f32 v55, v0;
	v1 =	vadd.f32 v56, v1  }
0xf7: {  	v33 =	vld [tilespmem:$0x1A8F0];
	v3 =	vadd.f32 v54, v3;
	v2 =	vadd.f32 v57, v2  }
0xf8: {  	v34 =	vld [tilespmem:$0x1A940];
	v0 =	vadd.f32 v59, v0;
	v1 =	vadd.f32 v60, v1  }
0xf9: {  	v35 =	vld [tilespmem:$0x1A950];
	v3 =	vadd.f32 v58, v3;
	v2 =	vadd.f32 v61, v2  }
0xfa: {  	v36 =	vld [tilespmem:$0x1A960];
	v0 =	vadd.f32 v63, v0;
	v1 =	vadd.f32 v25, v1  }
0xfb: {  	v38 =	vld [tilespmem:$0x1A9C0];
	v3 =	vadd.f32 v62, v3;
	v2 =	vadd.f32 v26, v2  }
0xfc: {  	v42 =	vld [tilespmem:$0x1AA40];
	v0 =	vadd.f32 v29, v0;
	v1 =	vadd.f32 v30, v1  }
0xfd: {  	v37 =	vld [tilespmem:$0x1A970];
	v3 =	vadd.f32 v28, v3;
	v2 =	vadd.f32 v32, v2  }
0xfe: {  	v43 =	vld [tilespmem:$0x1AA50];
	v0 =	vadd.f32 v34, v0;
	v1 =	vadd.f32 v35, v1  }
0xff: {  	v44 =	vld [tilespmem:$0x1AAC0];
	v3 =	vadd.f32 v33, v3;
	v2 =	vadd.f32 v36, v2  }
0x100: {  	v45 =	vld [tilespmem:$0x1AAD0];
	v0 =	vadd.f32 v38, v0;
	v1 =	vadd.f32 v39, v1  }
0x101: {  	v46 =	vld [tilespmem:$0x1AA60];
	v2 =	vadd.f32 v40, v2  }
0x102: {  	v47 =	vld [tilespmem:$0x1AAE0];
	v3 =	vadd.f32 v37, v3;
	v0 =	vmul.f32 $4.999999890e-03, v0;
	v1 =	vmul.f32 $4.999999890e-03, v1  }
0x103: {  	v48 =	vld [tilespmem:$0x1AA70];
	v2 =	vmul.f32 $4.999999890e-03, v2  }
0x104: {  	v50 =	vld [tilespmem:$0x1AAF0];
	v3 =	vadd.f32 v41, v3;
	v49 =	vmul.f32 v42, v0;
	v5 =	vmul.f32 v43, v1  }
0x105: {  	v0 =	vmul.f32 v44, v0;
	v1 =	vmul.f32 v45, v1  }
0x106: {  	v3 =	vmul.f32 $4.999999890e-03, v3;
	v52 =	vmul.f32 v46, v2;
	v51 =	vadd.f32 v5, v49  }
0x107: {  	v53 =	vmul.f32 v47, v2;
	v0 =	vadd.f32 v1, v0  }
0x108: {  	v55 =	vmul.f32 v48, v3;
	v54 =	vadd.f32 v52, v51  }
0x109: {  	v56 =	vmul.f32 v50, v3;
	v0 =	vadd.f32 v53, v0  }
0x10a: {  	v2 =	vadd.f32 v55, v54  }
0x10b: {  	v0 =	vadd.f32 v56, v0  }
0x10c: {  	(xrf2) =	vadd.scan.msk.f32 $0xffff, v2  }
0x10d: {  	(xrf2) =	vadd.scan.msk.f32 $0xffff, v0;
	_ =	sdelay $0x8  }
0x10e: {  	v58 =	vld [tilespmem:$0x1AB40];
	v57, _, _ =	vpop (xrf2)  }
0x10f: {  	v59, _, _ =	vpop (xrf2)  }
0x110: {  	v0 =	vbroadcast v57, $0xF;
	v2 =	vbroadcast v59, $0xF  }
0x111: {  	vm0 =	vmmov $0x1  }
0x112: {  	v0 =	vsel vm0, v0, v2  }
0x113: {  	v0 =	vadd.f32 v0, v58  }
0x114: {  	vm15 =	vmmov $0x3  }
0x115: {  	v1 =	vnsel vm15, $0xF149F2CA, v0  }
0x116: {  	(xrf0) =	vmax.scan.msk.f32 $0xffff, v1;
	_ =	sdelay $0x5  }
0x117: {  	v1, _, _ =	vpop (xrf0)  }
0x118: {  	v1 =	vbroadcast v1, $0xF  }
0x119: {  	v0 =	vnsel vm15, $0xC2C80000, v0  }
0x11a: {  	v0 =	vsub.f32 v0, v1;
	_ =	sdelay $0x1  }
0x11b: {  	v1 =	vmul.f32 $1.442695020e+00, v0;
	_ =	sdelay $0x1  }
0x11c: {  	(erf) = vpow2.f32 v1;
	_ =	sdelay $0x8  }
0x11d: {  	v1 =	vpop (erf)  }
0x11e: {  	(xrf2) =	vadd.scan.msk.f32 $0xffff, v1;
	_ =	sdelay $0x9  }
0x11f: {  	v1, _, _ =	vpop (xrf2)  }
0x120: {  	v1 =	vbroadcast v1, $0xF;
	_ =	sdelay $0x1  }
0x121: {  	v60 =	vadd.f32 $-1.000000000e+00, v1;
	_ =	sdelay $0x1  }
0x122: {  	v61 =	vmul.f32 $-2.500000000e-01, v60;
	_ =	sdelay $0x1  }
0x123: {  	v3 =	vadd.f32 $3.333333430e-01, v61;
	_ =	sdelay $0x1  }
0x124: {  	v3 =	vmul.f32 v3, v60;
	_ =	sdelay $0x1  }
0x125: {  	v3 =	vsub.f32 $5.000000000e-01, v3;
	_ =	sdelay $0x1  }
0x126: {  	v3 =	vmul.f32 v3, v60;
	_ =	sdelay $0x1  }
0x127: {  	v3 =	vsub.f32 $1.000000000e+00, v3;
	_ =	sdelay $0x1  }
0x128: {  	v2 =	vmul.f32 v3, v60;
	_ =	sdelay $0x1  }
0x129: {  	v3 =	vsub.f32 $0.0e+00, v2;
	_ =	sdelay $0x1  }
0x12a: {  	v3 =	vmul.f32 $1.442695020e+00, v3;
	_ =	sdelay $0x1  }
0x12b: {  	(erf) = vpow2.f32 v3;
	_ =	sdelay $0x8  }
0x12c: {  	v3 =	vpop (erf)  }
0x12d: {  	v3 =	vmul.f32 v3, v1;
	_ =	sdelay $0x1  }
0x12e: {  	v2 =	vadd.f32 v3, v2;
	_ =	sdelay $0x1  }
0x12f: {  	v2 =	vadd.f32 $-1.000000000e+00, v2;
	_ =	sdelay $0x1  }
0x130: {  	v62 =	vsub.f32 $0.0e+00, v2;
	_ =	sdelay $0x1  }
0x131: {  	v3 =	vmul.f32 $1.442695020e+00, v62;
	_ =	sdelay $0x1  }
0x132: {  	(erf) = vpow2.f32 v3;
	_ =	sdelay $0x8  }
0x133: {  	v3 =	vpop (erf)  }
0x134: {  	v3 =	vmul.f32 v3, v1;
	_ =	sdelay $0x1  }
0x135: {  	v2 =	vadd.f32 v3, v2;
	_ =	sdelay $0x1  }
0x136: {  	v2 =	vadd.f32 $-1.000000000e+00, v2;
	_ =	sdelay $0x1  }
0x137: {  	v63 =	vsub.f32 $0.0e+00, v2;
	_ =	sdelay $0x1  }
0x138: {  	v3 =	vmul.f32 $1.442695020e+00, v63;
	_ =	sdelay $0x1  }
0x139: {  	(erf) = vpow2.f32 v3;
	_ =	sdelay $0x8  }
0x13a: {  	v3 =	vpop (erf)  }
0x13b: {  	v1 =	vmul.f32 v3, v1;
	_ =	sdelay $0x1  }
0x13c: {  	v1 =	vadd.f32 v1, v2;
	_ =	sdelay $0x1  }
0x13d: {  	v1 =	vadd.f32 $-1.000000000e+00, v1;
	_ =	sdelay $0x1  }
0x13e: {  	v0 =	vsub.f32 v0, v1;
	_ =	sdelay $0x1  }
0x13f: {  	v0 =	vnsel vm15, $0x0, v0  }
0x140: {  	s31 =	simm.s32 $0x1ABC0;
	[tilespmem:$0x1ABC0] =	vst v0  }
0x141: {  	[hbm4b:s2+s3] =	stream.linear.scatter [tilespmem:s31], [sflag:$0x2], $0x80, $0x38;
	[tilespmem:$0x1AC40] =	vst v63  }
0x142: {  	_ =	swait.ge [sflag:s28], $0x80  }
0x143: {  	[sflag:s28] =	ssyncset.done $0x0  }
0x144: {  	[sflag:s28] =	ssyncadd.s32 $0xFFFFFF80  }
.LBB2_2:
0x145: {  	_ =	sfence.sel $0x180000  }
0x146: {  	[bflag:$0x0] =	sbarrier.arrive $0xFFFF  }
0x147: {  	p0 =	sne.s32 s1, $0x0;
	_ =	strace $0x90000047  }
0x148: {  	s0 =	sadd.s32 @!p0 $0x100000, s0;
	[bflag:$0x2] =	sbarrier.arrive $0xFFFF  }
0x149: {  	[sflag:s0] =	ssyncadd.tile.s32 @!p0 $0x1;
	_ =	shalt  }
.Lfunc_end2:
_tile_overlayer_lowered:
.L_overlay_start_2:
0x14a: {  	(tag) =	ssettag $0x2  }
0x14b: {  	s0 =	rddreg [dreg:$0x0];
	s2 =	stileid.u32  }
0x14c: {  	s1 =	rddreg [dreg:$0x1];
	p0 =	sne.s32 s2, $0x0  }
0x14d: {  	s3 =	rddreg [dreg:$0x2];
	[bflag:$0x3] =	sbarrier.arrive $0xFFFF;
	s2 =	simm.s32 @!p0 $0x1C02  }
0x14e: {  	[timem:s3], [sflag:s2] =	dma.local @!p0 [hbm:s0], s1  }
0x14f: {  	s0 =	simm.s32 @!p0 $0x2  }
0x150: {  	_ =	swait.ge @!p0 [sflag:s0], s1  }
0x151: {  	s1 =	ssub.s32 @!p0 $0x0, s1;
	[sflag:s0] =	ssyncset.done @!p0 $0x0  }
0x152: {  	[sflag:s0] =	ssyncadd.s32 @!p0 s1  }
0x153: {  	[bflag:$0x3] =	sbarrier.arrive $0xFFFF  }
0x154: {  	_ =	shalt  }

</sc_bundles>
